<compile_context>
chip_gen: v7x
topology: tpu7x:2x2x1
jax: 0.10.2.dev20260603
libtpu: 0.0.44.dev20260713+nightly
codegen_flags: <defaults>
</compile_context>

<pallas_src>
import functools
import jax
import jax.numpy as jnp
from jax import lax
from jax.experimental import pallas as pl
from jax.experimental.pallas import tpu as pltpu
from jax.experimental.pallas import tpu_sc as plsc

_N = 10000
_E = 320000
_D = 128
_NC = 2
_NS = 16
_NW = _NC * _NS
_CH = 200
_NCHUNK = 50
_EPT = _NCHUNK * _CH
_NPAD = 10240
_RPT = _NPAD // _NS


def _seg_sum_body(y_hbm, src_hbm, dst_hbm, zer_hbm, out_hbm,
                  acc, srcb0, dstb0, srcb1, dstb1, gbuf, gsem, isem0, isem1):
    c = lax.axis_index("c")
    s = lax.axis_index("s")
    cbase = (c * _NS + s) * _EPT

    def istart(g, sb, db, isem):
        off = cbase + g * _CH
        pltpu.async_copy(src_hbm.at[pl.ds(off, _CH)], sb, isem)
        pltpu.async_copy(dst_hbm.at[pl.ds(off, _CH)], db, isem)

    def iwait(g, sb, db, isem):
        off = cbase + g * _CH
        pltpu.make_async_copy(src_hbm.at[pl.ds(off, _CH)], sb, isem).wait()
        pltpu.make_async_copy(dst_hbm.at[pl.ds(off, _CH)], db, isem).wait()

    istart(0, srcb0, dstb0, isem0)
    istart(1, srcb1, dstb1, isem1)
    pltpu.sync_copy(zer_hbm, acc.at[pl.ds(s * _RPT, _RPT)])
    plsc.subcore_barrier()

    def chunk(g, sb, db, isem, k):
        iwait(g, sb, db, isem)
        pltpu.async_copy(y_hbm.at[sb], gbuf, gsem).wait()
        pltpu.sync_copy(gbuf, acc.at[db], add=True)

        @pl.when(k < _NCHUNK // 2 - 1)
        def _():
            istart(g + 2, sb, db, isem)

    def body(k, carry):
        chunk(2 * k, srcb0, dstb0, isem0, k)
        chunk(2 * k + 1, srcb1, dstb1, isem1, k)
        return carry

    lax.fori_loop(0, _NCHUNK // 2, body, 0)
    plsc.subcore_barrier()
    pltpu.sync_copy(acc.at[pl.ds(s * _RPT, _RPT)],
                    out_hbm.at[c, pl.ds(s * _RPT, _RPT)])


_seg_sum = functools.partial(
    pl.kernel,
    out_type=jax.ShapeDtypeStruct((_NC, _NPAD, _D), jnp.float32),
    mesh=plsc.VectorSubcoreMesh(core_axis_name="c", subcore_axis_name="s"),
    scratch_types=[
        pltpu.VMEM_SHARED((_NPAD, _D), jnp.float32),
        pltpu.VMEM((_CH,), jnp.int32),
        pltpu.VMEM((_CH,), jnp.int32),
        pltpu.VMEM((_CH,), jnp.int32),
        pltpu.VMEM((_CH,), jnp.int32),
        pltpu.VMEM((_CH, _D), jnp.float32),
        pltpu.SemaphoreType.DMA,
        pltpu.SemaphoreType.DMA,
        pltpu.SemaphoreType.DMA,
    ],
)(_seg_sum_body)


_BLK = 5000


def _dense_body(final, p_ref, x_ref, wr_ref, br_ref, wt_ref, g_ref, be_ref,
                wl_ref, bl_ref, o_ref):
    agg = p_ref[0] + p_ref[1]
    h = (jnp.dot(agg, wr_ref[...], preferred_element_type=jnp.float32)
         + jnp.dot(x_ref[...], wt_ref[...], preferred_element_type=jnp.float32)
         + br_ref[...])
    m = jnp.mean(h, axis=-1, keepdims=True)
    v = jnp.mean((h - m) * (h - m), axis=-1, keepdims=True)
    ln = (h - m) * lax.rsqrt(v + 1e-5) * g_ref[...] + be_ref[...]
    if final:
        o_ref[...] = (jnp.dot(ln, wl_ref[...],
                              preferred_element_type=jnp.float32)
                      + bl_ref[...])
    else:
        o_ref[...] = ln


def _dense(p, x, w_rel, b_rel, w_root, g, be, w_lin, b_lin, final):
    vec = pl.BlockSpec((1, _D), lambda i: (0, 0))
    mat = pl.BlockSpec((_D, _D), lambda i: (0, 0))
    return pl.pallas_call(
        functools.partial(_dense_body, final),
        grid=(_N // _BLK,),
        in_specs=[
            pl.BlockSpec((2, _BLK, _D), lambda i: (0, i, 0)),
            pl.BlockSpec((_BLK, _D), lambda i: (i, 0)),
            mat, vec, mat, vec, vec, mat, vec,
        ],
        out_specs=pl.BlockSpec((_BLK, _D), lambda i: (i, 0)),
        out_shape=jax.ShapeDtypeStruct((_N, _D), jnp.float32),
    )(p, x, w_rel, b_rel.reshape(1, _D), w_root, g.reshape(1, _D),
      be.reshape(1, _D), w_lin, b_lin.reshape(1, _D))


def kernel(x, edge_index, batch,
           W1_rel, b1_rel, W1_root, g1, be1,
           W2_rel, b2_rel, W2_root, g2, be2,
           W3_rel, b3_rel, W3_root, g3, be3,
           Wlin, blin):
    del batch
    src = edge_index[0]
    dst = edge_index[1]
    zer = jnp.zeros((_RPT, _D), jnp.float32)

    p = _seg_sum(x, src, dst, zer)
    h = _dense(p, x, W1_rel, b1_rel, W1_root, g1, be1, Wlin, blin, False)
    p = _seg_sum(h, src, dst, zer)
    h = _dense(p, h, W2_rel, b2_rel, W2_root, g2, be2, Wlin, blin, False)
    p = _seg_sum(h, src, dst, zer)
    out = _dense(p, h, W3_rel, b3_rel, W3_root, g3, be3, Wlin, blin, True)
    return out

# --- scband reference (transcript-rebuilt; emitter-appended) ---
"""Pipeline reference for scband-test-66194035966460 (READ-ONLY COPY).

The authoritative reference and input builder live on the scoring server;
editing this copy changes nothing except your own understanding.
"""

import jax, jax.numpy as jnp
import numpy as np

N = 10000
E = 320000
D = 128  # num_node_features == hidden_channels == 128


def _ln(x, g, b):
    m = jnp.mean(x, axis=-1, keepdims=True)
    v = jnp.var(x, axis=-1, keepdims=True)
    return (x - m) / jnp.sqrt(v + 1e-5) * g + b


def _graph_conv(x, src, dst, W_rel, b_rel, W_root):
    # PyG GraphConv (aggr='add'): out = lin_rel(sum_{j->i} x_j) + lin_root(x_i)
    msg = jnp.take(x, src, axis=0)
    agg = jax.ops.segment_sum(msg, dst, num_segments=x.shape[0])
    return agg @ W_rel + b_rel + x @ W_root


def setup_inputs(seed: int = 0) -> dict:
    key = jax.random.key(seed)
    ks = jax.random.split(key, 24)
    s = 1.0 / np.sqrt(D)
    inp = {}
    inp['x'] = jax.random.normal(ks[0], (N, D), dtype=jnp.float32)
    inp['edge_index'] = jax.random.randint(ks[1], (2, E), 0, N, dtype=jnp.int32)
    inp['batch'] = jnp.sort(jax.random.randint(ks[2], (N,), 0, 64, dtype=jnp.int32))
    # GraphConv 1
    inp['W1_rel'] = jax.random.normal(ks[3], (D, D), dtype=jnp.float32) * s
    inp['b1_rel'] = jnp.zeros((D,), dtype=jnp.float32)
    inp['W1_root'] = jax.random.normal(ks[4], (D, D), dtype=jnp.float32) * s
    inp['g1'] = jnp.ones((D,), dtype=jnp.float32)
    inp['be1'] = jnp.zeros((D,), dtype=jnp.float32)
    # GraphConv 2
    inp['W2_rel'] = jax.random.normal(ks[5], (D, D), dtype=jnp.float32) * s
    inp['b2_rel'] = jnp.zeros((D,), dtype=jnp.float32)
    inp['W2_root'] = jax.random.normal(ks[6], (D, D), dtype=jnp.float32) * s
    inp['g2'] = jnp.ones((D,), dtype=jnp.float32)
    inp['be2'] = jnp.zeros((D,), dtype=jnp.float32)
    # GraphConv 3
    inp['W3_rel'] = jax.random.normal(ks[7], (D, D), dtype=jnp.float32) * s
    inp['b3_rel'] = jnp.zeros((D,), dtype=jnp.float32)
    inp['W3_root'] = jax.random.normal(ks[8], (D, D), dtype=jnp.float32) * s
    inp['g3'] = jnp.ones((D,), dtype=jnp.float32)
    inp['be3'] = jnp.zeros((D,), dtype=jnp.float32)
    # Final Linear
    inp['Wlin'] = jax.random.normal(ks[9], (D, D), dtype=jnp.float32) * s
    inp['blin'] = jnp.zeros((D,), dtype=jnp.float32)
    return inp


def reference(x, edge_index, batch,
              W1_rel, b1_rel, W1_root, g1, be1,
              W2_rel, b2_rel, W2_root, g2, be2,
              W3_rel, b3_rel, W3_root, g3, be3,
              Wlin, blin):
    src = edge_index[0]
    dst = edge_index[1]
    h = _graph_conv(x, src, dst, W1_rel, b1_rel, W1_root)
    h = _ln(h, g1, be1)
    h = _graph_conv(h, src, dst, W2_rel, b2_rel, W2_root)
    h = _ln(h, g2, be2)
    h = _graph_conv(h, src, dst, W3_rel, b3_rel, W3_root)
    h = _ln(h, g3, be3)
    # dropout(p=0.5) is identity in eval mode (training=False)
    out = h @ Wlin + blin
    return out

if __name__ == "__main__":
    import jax
    _d = setup_inputs()
    print(jax.jit(kernel)(*tuple(_d.values())))

</pallas_src>

<mosaic_0001>
#map = affine_map<(d0, d1) -> (0, 0)>
#map1 = affine_map<(d0, d1) -> (0)>
#map2 = affine_map<(d0, d1) -> (0, 0, 0)>
module attributes {stable_mosaic.version = 14 : i64} {
  func.func @_seg_sum_body(%arg0: i32, %arg1: i32, %arg2: memref<10000x128xf32, #tpu.memory_space<hbm>>, %arg3: memref<320000xi32, #tpu.memory_space<hbm>>, %arg4: memref<320000xi32, #tpu.memory_space<hbm>>, %arg5: memref<640x128xf32, #tpu.memory_space<hbm>>, %arg6: memref<2x10240x128xf32, #tpu.memory_space<hbm>>, %arg7: memref<10240x128xf32, #tpu.memory_space<vmem_shared>>, %arg8: memref<200xi32, #tpu.memory_space<vmem>>, %arg9: memref<200xi32, #tpu.memory_space<vmem>>, %arg10: memref<200xi32, #tpu.memory_space<vmem>>, %arg11: memref<200xi32, #tpu.memory_space<vmem>>, %arg12: memref<200x128xf32, #tpu.memory_space<vmem>>, %arg13: memref<!tpu.dma_semaphore, #tpu.memory_space<semaphore_mem>>, %arg14: memref<!tpu.dma_semaphore, #tpu.memory_space<semaphore_mem>>, %arg15: memref<!tpu.dma_semaphore, #tpu.memory_space<semaphore_mem>>) attributes {dimension_semantics = [#tpu.dimension_semantics<core_parallel>, #tpu.dimension_semantics<subcore_parallel>], iteration_bounds = array<i64: 2, 16>, scalar_prefetch = 0 : i64, scratch_operands = 9 : i64, tpu.core_type = #tpu.core_type<sc_vector_subcore>, window_params = [{transform_indices = #map}, {transform_indices = #map1}, {transform_indices = #map1}, {transform_indices = #map}, {transform_indices = #map2}]} {
    %mul3A = arith.constant 16 : i32
    %mul3A_0 = arith.muli %arg0, %mul3A : i32
    %add3A = arith.addi %mul3A_0, %arg1 : i32
    %mul3A_1 = arith.constant 10000 : i32
    %mul3A_2 = arith.muli %add3A, %mul3A_1 : i32
    %add3A_3 = arith.constant 0 : i32
    %add3A_4 = arith.addi %mul3A_2, %add3A_3 : i32
    %dma_start3A = tpu.memref_slice %arg3[%add3A_4] : memref<320000xi32, #tpu.memory_space<hbm>> -> memref<200xi32, #tpu.memory_space<hbm>>
    %dma_start3A_5 = tpu.memref_slice %arg3[%add3A_4] : memref<320000xi32, #tpu.memory_space<hbm>> -> memref<200xi32, #tpu.memory_space<hbm>>
    tpu.enqueue_dma source(%dma_start3A_5 : memref<200xi32, #tpu.memory_space<hbm>>) target(%arg8 : memref<200xi32, #tpu.memory_space<vmem>>) target_semaphore(%arg14 : memref<!tpu.dma_semaphore, #tpu.memory_space<semaphore_mem>>)
    %dma_start3A_6 = tpu.memref_slice %arg4[%add3A_4] : memref<320000xi32, #tpu.memory_space<hbm>> -> memref<200xi32, #tpu.memory_space<hbm>>
    %dma_start3A_7 = tpu.memref_slice %arg4[%add3A_4] : memref<320000xi32, #tpu.memory_space<hbm>> -> memref<200xi32, #tpu.memory_space<hbm>>
    tpu.enqueue_dma source(%dma_start3A_7 : memref<200xi32, #tpu.memory_space<hbm>>) target(%arg9 : memref<200xi32, #tpu.memory_space<vmem>>) target_semaphore(%arg14 : memref<!tpu.dma_semaphore, #tpu.memory_space<semaphore_mem>>)
    %add3A_8 = arith.constant 200 : i32
    %add3A_9 = arith.addi %mul3A_2, %add3A_8 : i32
    %dma_start3A_10 = tpu.memref_slice %arg3[%add3A_9] : memref<320000xi32, #tpu.memory_space<hbm>> -> memref<200xi32, #tpu.memory_space<hbm>>
    %dma_start3A_11 = tpu.memref_slice %arg3[%add3A_9] : memref<320000xi32, #tpu.memory_space<hbm>> -> memref<200xi32, #tpu.memory_space<hbm>>
    tpu.enqueue_dma source(%dma_start3A_11 : memref<200xi32, #tpu.memory_space<hbm>>) target(%arg10 : memref<200xi32, #tpu.memory_space<vmem>>) target_semaphore(%arg15 : memref<!tpu.dma_semaphore, #tpu.memory_space<semaphore_mem>>)
    %dma_start3A_12 = tpu.memref_slice %arg4[%add3A_9] : memref<320000xi32, #tpu.memory_space<hbm>> -> memref<200xi32, #tpu.memory_space<hbm>>
    %dma_start3A_13 = tpu.memref_slice %arg4[%add3A_9] : memref<320000xi32, #tpu.memory_space<hbm>> -> memref<200xi32, #tpu.memory_space<hbm>>
    tpu.enqueue_dma source(%dma_start3A_13 : memref<200xi32, #tpu.memory_space<hbm>>) target(%arg11 : memref<200xi32, #tpu.memory_space<vmem>>) target_semaphore(%arg15 : memref<!tpu.dma_semaphore, #tpu.memory_space<semaphore_mem>>)
    %mul3A_14 = arith.constant 640 : i32
    %mul3A_15 = arith.muli %arg1, %mul3A_14 : i32
    "tpu.region"() ({
      %run_scoped3A = tpu.sem_alloc : memref<!tpu.dma_semaphore, #tpu.memory_space<semaphore_mem>>
      %dma_start3A_26 = arith.constant 0 : i32
      %dma_start3A_27 = tpu.memref_slice %arg7[%mul3A_15, %dma_start3A_26] : memref<10240x128xf32, #tpu.memory_space<vmem_shared>> -> memref<640x128xf32, #tpu.memory_space<vmem_shared>>
      tpu.enqueue_dma source(%arg5 : memref<640x128xf32, #tpu.memory_space<hbm>>) target(%dma_start3A_27 : memref<640x128xf32, #tpu.memory_space<vmem_shared>>) target_semaphore(%run_scoped3A : memref<!tpu.dma_semaphore, #tpu.memory_space<semaphore_mem>>)
      %dma_wait3A = arith.constant 0 : i32
      %dma_wait3A_28 = tpu.memref_slice %arg7[%mul3A_15, %dma_wait3A] : memref<10240x128xf32, #tpu.memory_space<vmem_shared>> -> memref<640x128xf32, #tpu.memory_space<vmem_shared>>
      tpu.wait_dma2 semaphore(%run_scoped3A : memref<!tpu.dma_semaphore, #tpu.memory_space<semaphore_mem>>) src(%arg5 : memref<640x128xf32, #tpu.memory_space<hbm>>) dst(%dma_wait3A_28 : memref<640x128xf32, #tpu.memory_space<vmem_shared>>)
      tpu.yield
    }) : () -> ()
    %barrier3A = arith.constant 0 : index
    tpu.barrier barrier_id(%barrier3A)
    %scan3A = arith.constant 0 : i32
    %scan3A_16 = arith.constant 0 : i32
    %scan3A_17 = arith.constant 25 : i32
    %scan3A_18 = arith.addi %scan3A_16, %scan3A_17 : i32
    %scan3A_19 = arith.constant 1 : i32
    scf.for %scan3A_26 = %scan3A_16 to %scan3A_18 step %scan3A_19  : i32 {
      %mul3A_27 = arith.constant 2 : i32
      %mul3A_28 = arith.muli %mul3A_27, %scan3A_26 : i32
      %mul3A_29 = arith.constant 200 : i32
      %mul3A_30 = arith.muli %mul3A_28, %mul3A_29 : i32
      %add3A_31 = arith.addi %mul3A_2, %mul3A_30 : i32
      %dma_wait3A = tpu.memref_slice %arg3[%add3A_31] : memref<320000xi32, #tpu.memory_space<hbm>> -> memref<200xi32, #tpu.memory_space<hbm>>
      %dma_wait3A_32 = tpu.memref_slice %arg3[%add3A_31] : memref<320000xi32, #tpu.memory_space<hbm>> -> memref<200xi32, #tpu.memory_space<hbm>>
      tpu.wait_dma2 semaphore(%arg14 : memref<!tpu.dma_semaphore, #tpu.memory_space<semaphore_mem>>) src(%dma_wait3A_32 : memref<200xi32, #tpu.memory_space<hbm>>) dst(%arg8 : memref<200xi32, #tpu.memory_space<vmem>>)
      %dma_wait3A_33 = tpu.memref_slice %arg4[%add3A_31] : memref<320000xi32, #tpu.memory_space<hbm>> -> memref<200xi32, #tpu.memory_space<hbm>>
      %dma_wait3A_34 = tpu.memref_slice %arg4[%add3A_31] : memref<320000xi32, #tpu.memory_space<hbm>> -> memref<200xi32, #tpu.memory_space<hbm>>
      tpu.wait_dma2 semaphore(%arg14 : memref<!tpu.dma_semaphore, #tpu.memory_space<semaphore_mem>>) src(%dma_wait3A_34 : memref<200xi32, #tpu.memory_space<hbm>>) dst(%arg9 : memref<200xi32, #tpu.memory_space<vmem>>)
      %dma_start3A_35 = arith.constant 0 : i32
      %dma_start3A_36 = arith.constant 0 : i32
      %dma_start3A_37 = tpu.memref_slice %arg2[%dma_start3A_35, %dma_start3A_36] : memref<10000x128xf32, #tpu.memory_space<hbm>> -> memref<10000x128xf32, #tpu.memory_space<hbm>>
      tpu.enqueue_indirect_dma source(%dma_start3A_37 : memref<10000x128xf32, #tpu.memory_space<hbm>>) target(%arg12 : memref<200x128xf32, #tpu.memory_space<vmem>>) offsets(%arg8 : memref<200xi32, #tpu.memory_space<vmem>>) semaphore(%arg13 : memref<!tpu.dma_semaphore, #tpu.memory_space<semaphore_mem>>)
      %dma_wait3A_38 = arith.constant 0 : i32
      %dma_wait3A_39 = arith.constant 0 : i32
      %dma_wait3A_40 = tpu.memref_slice %arg2[%dma_wait3A_38, %dma_wait3A_39] : memref<10000x128xf32, #tpu.memory_space<hbm>> -> memref<10000x128xf32, #tpu.memory_space<hbm>>
      tpu.wait_indirect_dma semaphore(%arg13 : memref<!tpu.dma_semaphore, #tpu.memory_space<semaphore_mem>>) src(%dma_wait3A_40 : memref<10000x128xf32, #tpu.memory_space<hbm>>) dst(%arg12 : memref<200x128xf32, #tpu.memory_space<vmem>>)
      "tpu.region"() ({
        %run_scoped3A = tpu.sem_alloc : memref<!tpu.dma_semaphore, #tpu.memory_space<semaphore_mem>>
        %dma_start3A_65 = arith.constant 0 : i32
        %dma_start3A_66 = arith.constant 0 : i32
        %dma_start3A_67 = tpu.memref_slice %arg7[%dma_start3A_65, %dma_start3A_66] : memref<10240x128xf32, #tpu.memory_space<vmem_shared>> -> memref<10240x128xf32, #tpu.memory_space<vmem_shared>>
        tpu.enqueue_indirect_dma source(%arg12 : memref<200x128xf32, #tpu.memory_space<vmem>>) target(%dma_start3A_67 : memref<10240x128xf32, #tpu.memory_space<vmem_shared>>) offsets(%arg9 : memref<200xi32, #tpu.memory_space<vmem>>) semaphore(%run_scoped3A : memref<!tpu.dma_semaphore, #tpu.memory_space<semaphore_mem>>) {add = true}
        %dma_wait3A_68 = arith.constant 0 : i32
        %dma_wait3A_69 = arith.constant 0 : i32
        %dma_wait3A_70 = tpu.memref_slice %arg7[%dma_wait3A_68, %dma_wait3A_69] : memref<10240x128xf32, #tpu.memory_space<vmem_shared>> -> memref<10240x128xf32, #tpu.memory_space<vmem_shared>>
        tpu.wait_indirect_dma semaphore(%run_scoped3A : memref<!tpu.dma_semaphore, #tpu.memory_space<semaphore_mem>>) src(%arg12 : memref<200x128xf32, #tpu.memory_space<vmem>>) dst(%dma_wait3A_70 : memref<10240x128xf32, #tpu.memory_space<vmem_shared>>)
        tpu.yield
      }) : () -> ()
      %lt3A = arith.constant 24 : i32
      %lt3A_41 = arith.cmpi slt, %scan3A_26, %lt3A : i32
      %convert_element_type3A = arith.extui %lt3A_41 : i1 to i32
      %cond3A = arith.constant 0 : i32
      %cond3A_42 = arith.cmpi ne, %convert_element_type3A, %cond3A : i32
      scf.if %cond3A_42 {
        %add3A_65 = arith.constant 2 : i32
        %add3A_66 = arith.addi %mul3A_28, %add3A_65 : i32
        %mul3A_67 = arith.constant 200 : i32
        %mul3A_68 = arith.muli %add3A_66, %mul3A_67 : i32
        %add3A_69 = arith.addi %mul3A_2, %mul3A_68 : i32
        %dma_start3A_70 = tpu.memref_slice %arg3[%add3A_69] : memref<320000xi32, #tpu.memory_space<hbm>> -> memref<200xi32, #tpu.memory_space<hbm>>
        %dma_start3A_71 = tpu.memref_slice %arg3[%add3A_69] : memref<320000xi32, #tpu.memory_space<hbm>> -> memref<200xi32, #tpu.memory_space<hbm>>
        tpu.enqueue_dma source(%dma_start3A_71 : memref<200xi32, #tpu.memory_space<hbm>>) target(%arg8 : memref<200xi32, #tpu.memory_space<vmem>>) target_semaphore(%arg14 : memref<!tpu.dma_semaphore, #tpu.memory_space<semaphore_mem>>)
        %dma_start3A_72 = tpu.memref_slice %arg4[%add3A_69] : memref<320000xi32, #tpu.memory_space<hbm>> -> memref<200xi32, #tpu.memory_space<hbm>>
        %dma_start3A_73 = tpu.memref_slice %arg4[%add3A_69] : memref<320000xi32, #tpu.memory_space<hbm>> -> memref<200xi32, #tpu.memory_space<hbm>>
        tpu.enqueue_dma source(%dma_start3A_73 : memref<200xi32, #tpu.memory_space<hbm>>) target(%arg9 : memref<200xi32, #tpu.memory_space<vmem>>) target_semaphore(%arg14 : memref<!tpu.dma_semaphore, #tpu.memory_space<semaphore_mem>>)
      } else {
      }
      %mul3A_43 = arith.constant 2 : i32
      %mul3A_44 = arith.muli %mul3A_43, %scan3A_26 : i32
      %add3A_45 = arith.constant 1 : i32
      %add3A_46 = arith.addi %mul3A_44, %add3A_45 : i32
      %mul3A_47 = arith.constant 200 : i32
      %mul3A_48 = arith.muli %add3A_46, %mul3A_47 : i32
      %add3A_49 = arith.addi %mul3A_2, %mul3A_48 : i32
      %dma_wait3A_50 = tpu.memref_slice %arg3[%add3A_49] : memref<320000xi32, #tpu.memory_space<hbm>> -> memref<200xi32, #tpu.memory_space<hbm>>
      %dma_wait3A_51 = tpu.memref_slice %arg3[%add3A_49] : memref<320000xi32, #tpu.memory_space<hbm>> -> memref<200xi32, #tpu.memory_space<hbm>>
      tpu.wait_dma2 semaphore(%arg15 : memref<!tpu.dma_semaphore, #tpu.memory_space<semaphore_mem>>) src(%dma_wait3A_51 : memref<200xi32, #tpu.memory_space<hbm>>) dst(%arg10 : memref<200xi32, #tpu.memory_space<vmem>>)
      %dma_wait3A_52 = tpu.memref_slice %arg4[%add3A_49] : memref<320000xi32, #tpu.memory_space<hbm>> -> memref<200xi32, #tpu.memory_space<hbm>>
      %dma_wait3A_53 = tpu.memref_slice %arg4[%add3A_49] : memref<320000xi32, #tpu.memory_space<hbm>> -> memref<200xi32, #tpu.memory_space<hbm>>
      tpu.wait_dma2 semaphore(%arg15 : memref<!tpu.dma_semaphore, #tpu.memory_space<semaphore_mem>>) src(%dma_wait3A_53 : memref<200xi32, #tpu.memory_space<hbm>>) dst(%arg11 : memref<200xi32, #tpu.memory_space<vmem>>)
      %dma_start3A_54 = arith.constant 0 : i32
      %dma_start3A_55 = arith.constant 0 : i32
      %dma_start3A_56 = tpu.memref_slice %arg2[%dma_start3A_54, %dma_start3A_55] : memref<10000x128xf32, #tpu.memory_space<hbm>> -> memref<10000x128xf32, #tpu.memory_space<hbm>>
      tpu.enqueue_indirect_dma source(%dma_start3A_56 : memref<10000x128xf32, #tpu.memory_space<hbm>>) target(%arg12 : memref<200x128xf32, #tpu.memory_space<vmem>>) offsets(%arg10 : memref<200xi32, #tpu.memory_space<vmem>>) semaphore(%arg13 : memref<!tpu.dma_semaphore, #tpu.memory_space<semaphore_mem>>)
      %dma_wait3A_57 = arith.constant 0 : i32
      %dma_wait3A_58 = arith.constant 0 : i32
      %dma_wait3A_59 = tpu.memref_slice %arg2[%dma_wait3A_57, %dma_wait3A_58] : memref<10000x128xf32, #tpu.memory_space<hbm>> -> memref<10000x128xf32, #tpu.memory_space<hbm>>
      tpu.wait_indirect_dma semaphore(%arg13 : memref<!tpu.dma_semaphore, #tpu.memory_space<semaphore_mem>>) src(%dma_wait3A_59 : memref<10000x128xf32, #tpu.memory_space<hbm>>) dst(%arg12 : memref<200x128xf32, #tpu.memory_space<vmem>>)
      "tpu.region"() ({
        %run_scoped3A = tpu.sem_alloc : memref<!tpu.dma_semaphore, #tpu.memory_space<semaphore_mem>>
        %dma_start3A_65 = arith.constant 0 : i32
        %dma_start3A_66 = arith.constant 0 : i32
        %dma_start3A_67 = tpu.memref_slice %arg7[%dma_start3A_65, %dma_start3A_66] : memref<10240x128xf32, #tpu.memory_space<vmem_shared>> -> memref<10240x128xf32, #tpu.memory_space<vmem_shared>>
        tpu.enqueue_indirect_dma source(%arg12 : memref<200x128xf32, #tpu.memory_space<vmem>>) target(%dma_start3A_67 : memref<10240x128xf32, #tpu.memory_space<vmem_shared>>) offsets(%arg11 : memref<200xi32, #tpu.memory_space<vmem>>) semaphore(%run_scoped3A : memref<!tpu.dma_semaphore, #tpu.memory_space<semaphore_mem>>) {add = true}
        %dma_wait3A_68 = arith.constant 0 : i32
        %dma_wait3A_69 = arith.constant 0 : i32
        %dma_wait3A_70 = tpu.memref_slice %arg7[%dma_wait3A_68, %dma_wait3A_69] : memref<10240x128xf32, #tpu.memory_space<vmem_shared>> -> memref<10240x128xf32, #tpu.memory_space<vmem_shared>>
        tpu.wait_indirect_dma semaphore(%run_scoped3A : memref<!tpu.dma_semaphore, #tpu.memory_space<semaphore_mem>>) src(%arg12 : memref<200x128xf32, #tpu.memory_space<vmem>>) dst(%dma_wait3A_70 : memref<10240x128xf32, #tpu.memory_space<vmem_shared>>)
        tpu.yield
      }) : () -> ()
      %lt3A_60 = arith.constant 24 : i32
      %lt3A_61 = arith.cmpi slt, %scan3A_26, %lt3A_60 : i32
      %convert_element_type3A_62 = arith.extui %lt3A_61 : i1 to i32
      %cond3A_63 = arith.constant 0 : i32
      %cond3A_64 = arith.cmpi ne, %convert_element_type3A_62, %cond3A_63 : i32
      scf.if %cond3A_64 {
        %add3A_65 = arith.constant 2 : i32
        %add3A_66 = arith.addi %add3A_46, %add3A_65 : i32
        %mul3A_67 = arith.constant 200 : i32
        %mul3A_68 = arith.muli %add3A_66, %mul3A_67 : i32
        %add3A_69 = arith.addi %mul3A_2, %mul3A_68 : i32
        %dma_start3A_70 = tpu.memref_slice %arg3[%add3A_69] : memref<320000xi32, #tpu.memory_space<hbm>> -> memref<200xi32, #tpu.memory_space<hbm>>
        %dma_start3A_71 = tpu.memref_slice %arg3[%add3A_69] : memref<320000xi32, #tpu.memory_space<hbm>> -> memref<200xi32, #tpu.memory_space<hbm>>
        tpu.enqueue_dma source(%dma_start3A_71 : memref<200xi32, #tpu.memory_space<hbm>>) target(%arg10 : memref<200xi32, #tpu.memory_space<vmem>>) target_semaphore(%arg15 : memref<!tpu.dma_semaphore, #tpu.memory_space<semaphore_mem>>)
        %dma_start3A_72 = tpu.memref_slice %arg4[%add3A_69] : memref<320000xi32, #tpu.memory_space<hbm>> -> memref<200xi32, #tpu.memory_space<hbm>>
        %dma_start3A_73 = tpu.memref_slice %arg4[%add3A_69] : memref<320000xi32, #tpu.memory_space<hbm>> -> memref<200xi32, #tpu.memory_space<hbm>>
        tpu.enqueue_dma source(%dma_start3A_73 : memref<200xi32, #tpu.memory_space<hbm>>) target(%arg11 : memref<200xi32, #tpu.memory_space<vmem>>) target_semaphore(%arg15 : memref<!tpu.dma_semaphore, #tpu.memory_space<semaphore_mem>>)
      } else {
      }
    }
    %scan3A_20 = arith.constant 25 : i32
    %barrier3A_21 = arith.constant 0 : index
    tpu.barrier barrier_id(%barrier3A_21)
    %mul3A_22 = arith.constant 640 : i32
    %mul3A_23 = arith.muli %arg1, %mul3A_22 : i32
    %mul3A_24 = arith.constant 640 : i32
    %mul3A_25 = arith.muli %arg1, %mul3A_24 : i32
    "tpu.region"() ({
      %run_scoped3A = tpu.sem_alloc : memref<!tpu.dma_semaphore, #tpu.memory_space<semaphore_mem>>
      %dma_start3A_26 = arith.constant 0 : i32
      %dma_start3A_27 = tpu.memref_slice %arg6[%arg0, %mul3A_25, %dma_start3A_26] : memref<2x10240x128xf32, #tpu.memory_space<hbm>> -> memref<1x640x128xf32, #tpu.memory_space<hbm>>
      %dma_start3A_28 = tpu.memref_squeeze %dma_start3A_27 : memref<1x640x128xf32, #tpu.memory_space<hbm>> -> memref<640x128xf32, #tpu.memory_space<hbm>>
      %dma_start3A_29 = arith.constant 0 : i32
      %dma_start3A_30 = tpu.memref_slice %arg7[%mul3A_23, %dma_start3A_29] : memref<10240x128xf32, #tpu.memory_space<vmem_shared>> -> memref<640x128xf32, #tpu.memory_space<vmem_shared>>
      tpu.enqueue_dma source(%dma_start3A_30 : memref<640x128xf32, #tpu.memory_space<vmem_shared>>) target(%dma_start3A_28 : memref<640x128xf32, #tpu.memory_space<hbm>>) target_semaphore(%run_scoped3A : memref<!tpu.dma_semaphore, #tpu.memory_space<semaphore_mem>>)
      %dma_wait3A = arith.constant 0 : i32
      %dma_wait3A_31 = tpu.memref_slice %arg6[%arg0, %mul3A_25, %dma_wait3A] : memref<2x10240x128xf32, #tpu.memory_space<hbm>> -> memref<1x640x128xf32, #tpu.memory_space<hbm>>
      %dma_wait3A_32 = tpu.memref_squeeze %dma_wait3A_31 : memref<1x640x128xf32, #tpu.memory_space<hbm>> -> memref<640x128xf32, #tpu.memory_space<hbm>>
      %dma_wait3A_33 = arith.constant 0 : i32
      %dma_wait3A_34 = tpu.memref_slice %arg7[%mul3A_23, %dma_wait3A_33] : memref<10240x128xf32, #tpu.memory_space<vmem_shared>> -> memref<640x128xf32, #tpu.memory_space<vmem_shared>>
      tpu.wait_dma2 semaphore(%run_scoped3A : memref<!tpu.dma_semaphore, #tpu.memory_space<semaphore_mem>>) src(%dma_wait3A_34 : memref<640x128xf32, #tpu.memory_space<vmem_shared>>) dst(%dma_wait3A_32 : memref<640x128xf32, #tpu.memory_space<hbm>>)
      tpu.yield
    }) : () -> ()
    return
  }
}

#map = affine_map<(d0, d1) -> (0, 0)>
#map1 = affine_map<(d0, d1) -> (0)>
#map2 = affine_map<(d0, d1) -> (0, 0, 0)>
module attributes {stable_mosaic.version = 14 : i64} {
  func.func @_seg_sum_body(%arg0: i32, %arg1: i32, %arg2: memref<10000x128xf32, #tpu.memory_space<hbm>>, %arg3: memref<320000xi32, #tpu.memory_space<hbm>>, %arg4: memref<320000xi32, #tpu.memory_space<hbm>>, %arg5: memref<640x128xf32, #tpu.memory_space<hbm>>, %arg6: memref<2x10240x128xf32, #tpu.memory_space<hbm>>, %arg7: memref<10240x128xf32, #tpu.memory_space<vmem_shared>>, %arg8: memref<200xi32, #tpu.memory_space<vmem>>, %arg9: memref<200xi32, #tpu.memory_space<vmem>>, %arg10: memref<200xi32, #tpu.memory_space<vmem>>, %arg11: memref<200xi32, #tpu.memory_space<vmem>>, %arg12: memref<200x128xf32, #tpu.memory_space<vmem>>, %arg13: memref<!tpu.dma_semaphore, #tpu.memory_space<semaphore_mem>>, %arg14: memref<!tpu.dma_semaphore, #tpu.memory_space<semaphore_mem>>, %arg15: memref<!tpu.dma_semaphore, #tpu.memory_space<semaphore_mem>>) attributes {dimension_semantics = [#tpu.dimension_semantics<core_parallel>, #tpu.dimension_semantics<subcore_parallel>], iteration_bounds = array<i64: 2, 16>, scalar_prefetch = 0 : i64, scratch_operands = 9 : i64, tpu.core_type = #tpu.core_type<sc_vector_subcore>, window_params = [{transform_indices = #map}, {transform_indices = #map1}, {transform_indices = #map1}, {transform_indices = #map}, {transform_indices = #map2}]} {
    %mul3A = arith.constant 16 : i32
    %mul3A_0 = arith.muli %arg0, %mul3A : i32
    %add3A = arith.addi %mul3A_0, %arg1 : i32
    %mul3A_1 = arith.constant 10000 : i32
    %mul3A_2 = arith.muli %add3A, %mul3A_1 : i32
    %add3A_3 = arith.constant 0 : i32
    %add3A_4 = arith.addi %mul3A_2, %add3A_3 : i32
    %dma_start3A = tpu.memref_slice %arg3[%add3A_4] : memref<320000xi32, #tpu.memory_space<hbm>> -> memref<200xi32, #tpu.memory_space<hbm>>
    %dma_start3A_5 = tpu.memref_slice %arg3[%add3A_4] : memref<320000xi32, #tpu.memory_space<hbm>> -> memref<200xi32, #tpu.memory_space<hbm>>
    tpu.enqueue_dma source(%dma_start3A_5 : memref<200xi32, #tpu.memory_space<hbm>>) target(%arg8 : memref<200xi32, #tpu.memory_space<vmem>>) target_semaphore(%arg14 : memref<!tpu.dma_semaphore, #tpu.memory_space<semaphore_mem>>)
    %dma_start3A_6 = tpu.memref_slice %arg4[%add3A_4] : memref<320000xi32, #tpu.memory_space<hbm>> -> memref<200xi32, #tpu.memory_space<hbm>>
    %dma_start3A_7 = tpu.memref_slice %arg4[%add3A_4] : memref<320000xi32, #tpu.memory_space<hbm>> -> memref<200xi32, #tpu.memory_space<hbm>>
    tpu.enqueue_dma source(%dma_start3A_7 : memref<200xi32, #tpu.memory_space<hbm>>) target(%arg9 : memref<200xi32, #tpu.memory_space<vmem>>) target_semaphore(%arg14 : memref<!tpu.dma_semaphore, #tpu.memory_space<semaphore_mem>>)
    %add3A_8 = arith.constant 200 : i32
    %add3A_9 = arith.addi %mul3A_2, %add3A_8 : i32
    %dma_start3A_10 = tpu.memref_slice %arg3[%add3A_9] : memref<320000xi32, #tpu.memory_space<hbm>> -> memref<200xi32, #tpu.memory_space<hbm>>
    %dma_start3A_11 = tpu.memref_slice %arg3[%add3A_9] : memref<320000xi32, #tpu.memory_space<hbm>> -> memref<200xi32, #tpu.memory_space<hbm>>
    tpu.enqueue_dma source(%dma_start3A_11 : memref<200xi32, #tpu.memory_space<hbm>>) target(%arg10 : memref<200xi32, #tpu.memory_space<vmem>>) target_semaphore(%arg15 : memref<!tpu.dma_semaphore, #tpu.memory_space<semaphore_mem>>)
    %dma_start3A_12 = tpu.memref_slice %arg4[%add3A_9] : memref<320000xi32, #tpu.memory_space<hbm>> -> memref<200xi32, #tpu.memory_space<hbm>>
    %dma_start3A_13 = tpu.memref_slice %arg4[%add3A_9] : memref<320000xi32, #tpu.memory_space<hbm>> -> memref<200xi32, #tpu.memory_space<hbm>>
    tpu.enqueue_dma source(%dma_start3A_13 : memref<200xi32, #tpu.memory_space<hbm>>) target(%arg11 : memref<200xi32, #tpu.memory_space<vmem>>) target_semaphore(%arg15 : memref<!tpu.dma_semaphore, #tpu.memory_space<semaphore_mem>>)
    %mul3A_14 = arith.constant 640 : i32
    %mul3A_15 = arith.muli %arg1, %mul3A_14 : i32
    "tpu.region"() ({
      %run_scoped3A = tpu.sem_alloc : memref<!tpu.dma_semaphore, #tpu.memory_space<semaphore_mem>>
      %dma_start3A_26 = arith.constant 0 : i32
      %dma_start3A_27 = tpu.memref_slice %arg7[%mul3A_15, %dma_start3A_26] : memref<10240x128xf32, #tpu.memory_space<vmem_shared>> -> memref<640x128xf32, #tpu.memory_space<vmem_shared>>
      tpu.enqueue_dma source(%arg5 : memref<640x128xf32, #tpu.memory_space<hbm>>) target(%dma_start3A_27 : memref<640x128xf32, #tpu.memory_space<vmem_shared>>) target_semaphore(%run_scoped3A : memref<!tpu.dma_semaphore, #tpu.memory_space<semaphore_mem>>)
      %dma_wait3A = arith.constant 0 : i32
      %dma_wait3A_28 = tpu.memref_slice %arg7[%mul3A_15, %dma_wait3A] : memref<10240x128xf32, #tpu.memory_space<vmem_shared>> -> memref<640x128xf32, #tpu.memory_space<vmem_shared>>
      tpu.wait_dma2 semaphore(%run_scoped3A : memref<!tpu.dma_semaphore, #tpu.memory_space<semaphore_mem>>) src(%arg5 : memref<640x128xf32, #tpu.memory_space<hbm>>) dst(%dma_wait3A_28 : memref<640x128xf32, #tpu.memory_space<vmem_shared>>)
      tpu.yield
    }) : () -> ()
    %barrier3A = arith.constant 0 : index
    tpu.barrier barrier_id(%barrier3A)
    %scan3A = arith.constant 0 : i32
    %scan3A_16 = arith.constant 0 : i32
    %scan3A_17 = arith.constant 25 : i32
    %scan3A_18 = arith.addi %scan3A_16, %scan3A_17 : i32
    %scan3A_19 = arith.constant 1 : i32
    scf.for %scan3A_26 = %scan3A_16 to %scan3A_18 step %scan3A_19  : i32 {
      %mul3A_27 = arith.constant 2 : i32
      %mul3A_28 = arith.muli %mul3A_27, %scan3A_26 : i32
      %mul3A_29 = arith.constant 200 : i32
      %mul3A_30 = arith.muli %mul3A_28, %mul3A_29 : i32
      %add3A_31 = arith.addi %mul3A_2, %mul3A_30 : i32
      %dma_wait3A = tpu.memref_slice %arg3[%add3A_31] : memref<320000xi32, #tpu.memory_space<hbm>> -> memref<200xi32, #tpu.memory_space<hbm>>
      %dma_wait3A_32 = tpu.memref_slice %arg3[%add3A_31] : memref<320000xi32, #tpu.memory_space<hbm>> -> memref<200xi32, #tpu.memory_space<hbm>>
      tpu.wait_dma2 semaphore(%arg14 : memref<!tpu.dma_semaphore, #tpu.memory_space<semaphore_mem>>) src(%dma_wait3A_32 : memref<200xi32, #tpu.memory_space<hbm>>) dst(%arg8 : memref<200xi32, #tpu.memory_space<vmem>>)
      %dma_wait3A_33 = tpu.memref_slice %arg4[%add3A_31] : memref<320000xi32, #tpu.memory_space<hbm>> -> memref<200xi32, #tpu.memory_space<hbm>>
      %dma_wait3A_34 = tpu.memref_slice %arg4[%add3A_31] : memref<320000xi32, #tpu.memory_space<hbm>> -> memref<200xi32, #tpu.memory_space<hbm>>
      tpu.wait_dma2 semaphore(%arg14 : memref<!tpu.dma_semaphore, #tpu.memory_space<semaphore_mem>>) src(%dma_wait3A_34 : memref<200xi32, #tpu.memory_space<hbm>>) dst(%arg9 : memref<200xi32, #tpu.memory_space<vmem>>)
      %dma_start3A_35 = arith.constant 0 : i32
      %dma_start3A_36 = arith.constant 0 : i32
      %dma_start3A_37 = tpu.memref_slice %arg2[%dma_start3A_35, %dma_start3A_36] : memref<10000x128xf32, #tpu.memory_space<hbm>> -> memref<10000x128xf32, #tpu.memory_space<hbm>>
      tpu.enqueue_indirect_dma source(%dma_start3A_37 : memref<10000x128xf32, #tpu.memory_space<hbm>>) target(%arg12 : memref<200x128xf32, #tpu.memory_space<vmem>>) offsets(%arg8 : memref<200xi32, #tpu.memory_space<vmem>>) semaphore(%arg13 : memref<!tpu.dma_semaphore, #tpu.memory_space<semaphore_mem>>)
      %dma_wait3A_38 = arith.constant 0 : i32
      %dma_wait3A_39 = arith.constant 0 : i32
      %dma_wait3A_40 = tpu.memref_slice %arg2[%dma_wait3A_38, %dma_wait3A_39] : memref<10000x128xf32, #tpu.memory_space<hbm>> -> memref<10000x128xf32, #tpu.memory_space<hbm>>
      tpu.wait_indirect_dma semaphore(%arg13 : memref<!tpu.dma_semaphore, #tpu.memory_space<semaphore_mem>>) src(%dma_wait3A_40 : memref<10000x128xf32, #tpu.memory_space<hbm>>) dst(%arg12 : memref<200x128xf32, #tpu.memory_space<vmem>>)
      "tpu.region"() ({
        %run_scoped3A = tpu.sem_alloc : memref<!tpu.dma_semaphore, #tpu.memory_space<semaphore_mem>>
        %dma_start3A_65 = arith.constant 0 : i32
        %dma_start3A_66 = arith.constant 0 : i32
        %dma_start3A_67 = tpu.memref_slice %arg7[%dma_start3A_65, %dma_start3A_66] : memref<10240x128xf32, #tpu.memory_space<vmem_shared>> -> memref<10240x128xf32, #tpu.memory_space<vmem_shared>>
        tpu.enqueue_indirect_dma source(%arg12 : memref<200x128xf32, #tpu.memory_space<vmem>>) target(%dma_start3A_67 : memref<10240x128xf32, #tpu.memory_space<vmem_shared>>) offsets(%arg9 : memref<200xi32, #tpu.memory_space<vmem>>) semaphore(%run_scoped3A : memref<!tpu.dma_semaphore, #tpu.memory_space<semaphore_mem>>) {add = true}
        %dma_wait3A_68 = arith.constant 0 : i32
        %dma_wait3A_69 = arith.constant 0 : i32
        %dma_wait3A_70 = tpu.memref_slice %arg7[%dma_wait3A_68, %dma_wait3A_69] : memref<10240x128xf32, #tpu.memory_space<vmem_shared>> -> memref<10240x128xf32, #tpu.memory_space<vmem_shared>>
        tpu.wait_indirect_dma semaphore(%run_scoped3A : memref<!tpu.dma_semaphore, #tpu.memory_space<semaphore_mem>>) src(%arg12 : memref<200x128xf32, #tpu.memory_space<vmem>>) dst(%dma_wait3A_70 : memref<10240x128xf32, #tpu.memory_space<vmem_shared>>)
        tpu.yield
      }) : () -> ()
      %lt3A = arith.constant 24 : i32
      %lt3A_41 = arith.cmpi slt, %scan3A_26, %lt3A : i32
      %convert_element_type3A = arith.extui %lt3A_41 : i1 to i32
      %cond3A = arith.constant 0 : i32
      %cond3A_42 = arith.cmpi ne, %convert_element_type3A, %cond3A : i32
      scf.if %cond3A_42 {
        %add3A_65 = arith.constant 2 : i32
        %add3A_66 = arith.addi %mul3A_28, %add3A_65 : i32
        %mul3A_67 = arith.constant 200 : i32
        %mul3A_68 = arith.muli %add3A_66, %mul3A_67 : i32
        %add3A_69 = arith.addi %mul3A_2, %mul3A_68 : i32
        %dma_start3A_70 = tpu.memref_slice %arg3[%add3A_69] : memref<320000xi32, #tpu.memory_space<hbm>> -> memref<200xi32, #tpu.memory_space<hbm>>
        %dma_start3A_71 = tpu.memref_slice %arg3[%add3A_69] : memref<320000xi32, #tpu.memory_space<hbm>> -> memref<200xi32, #tpu.memory_space<hbm>>
        tpu.enqueue_dma source(%dma_start3A_71 : memref<200xi32, #tpu.memory_space<hbm>>) target(%arg8 : memref<200xi32, #tpu.memory_space<vmem>>) target_semaphore(%arg14 : memref<!tpu.dma_semaphore, #tpu.memory_space<semaphore_mem>>)
        %dma_start3A_72 = tpu.memref_slice %arg4[%add3A_69] : memref<320000xi32, #tpu.memory_space<hbm>> -> memref<200xi32, #tpu.memory_space<hbm>>
        %dma_start3A_73 = tpu.memref_slice %arg4[%add3A_69] : memref<320000xi32, #tpu.memory_space<hbm>> -> memref<200xi32, #tpu.memory_space<hbm>>
        tpu.enqueue_dma source(%dma_start3A_73 : memref<200xi32, #tpu.memory_space<hbm>>) target(%arg9 : memref<200xi32, #tpu.memory_space<vmem>>) target_semaphore(%arg14 : memref<!tpu.dma_semaphore, #tpu.memory_space<semaphore_mem>>)
      } else {
      }
      %mul3A_43 = arith.constant 2 : i32
      %mul3A_44 = arith.muli %mul3A_43, %scan3A_26 : i32
      %add3A_45 = arith.constant 1 : i32
      %add3A_46 = arith.addi %mul3A_44, %add3A_45 : i32
      %mul3A_47 = arith.constant 200 : i32
      %mul3A_48 = arith.muli %add3A_46, %mul3A_47 : i32
      %add3A_49 = arith.addi %mul3A_2, %mul3A_48 : i32
      %dma_wait3A_50 = tpu.memref_slice %arg3[%add3A_49] : memref<320000xi32, #tpu.memory_space<hbm>> -> memref<200xi32, #tpu.memory_space<hbm>>
      %dma_wait3A_51 = tpu.memref_slice %arg3[%add3A_49] : memref<320000xi32, #tpu.memory_space<hbm>> -> memref<200xi32, #tpu.memory_space<hbm>>
      tpu.wait_dma2 semaphore(%arg15 : memref<!tpu.dma_semaphore, #tpu.memory_space<semaphore_mem>>) src(%dma_wait3A_51 : memref<200xi32, #tpu.memory_space<hbm>>) dst(%arg10 : memref<200xi32, #tpu.memory_space<vmem>>)
      %dma_wait3A_52 = tpu.memref_slice %arg4[%add3A_49] : memref<320000xi32, #tpu.memory_space<hbm>> -> memref<200xi32, #tpu.memory_space<hbm>>
      %dma_wait3A_53 = tpu.memref_slice %arg4[%add3A_49] : memref<320000xi32, #tpu.memory_space<hbm>> -> memref<200xi32, #tpu.memory_space<hbm>>
      tpu.wait_dma2 semaphore(%arg15 : memref<!tpu.dma_semaphore, #tpu.memory_space<semaphore_mem>>) src(%dma_wait3A_53 : memref<200xi32, #tpu.memory_space<hbm>>) dst(%arg11 : memref<200xi32, #tpu.memory_space<vmem>>)
      %dma_start3A_54 = arith.constant 0 : i32
      %dma_start3A_55 = arith.constant 0 : i32
      %dma_start3A_56 = tpu.memref_slice %arg2[%dma_start3A_54, %dma_start3A_55] : memref<10000x128xf32, #tpu.memory_space<hbm>> -> memref<10000x128xf32, #tpu.memory_space<hbm>>
      tpu.enqueue_indirect_dma source(%dma_start3A_56 : memref<10000x128xf32, #tpu.memory_space<hbm>>) target(%arg12 : memref<200x128xf32, #tpu.memory_space<vmem>>) offsets(%arg10 : memref<200xi32, #tpu.memory_space<vmem>>) semaphore(%arg13 : memref<!tpu.dma_semaphore, #tpu.memory_space<semaphore_mem>>)
      %dma_wait3A_57 = arith.constant 0 : i32
      %dma_wait3A_58 = arith.constant 0 : i32
      %dma_wait3A_59 = tpu.memref_slice %arg2[%dma_wait3A_57, %dma_wait3A_58] : memref<10000x128xf32, #tpu.memory_space<hbm>> -> memref<10000x128xf32, #tpu.memory_space<hbm>>
      tpu.wait_indirect_dma semaphore(%arg13 : memref<!tpu.dma_semaphore, #tpu.memory_space<semaphore_mem>>) src(%dma_wait3A_59 : memref<10000x128xf32, #tpu.memory_space<hbm>>) dst(%arg12 : memref<200x128xf32, #tpu.memory_space<vmem>>)
      "tpu.region"() ({
        %run_scoped3A = tpu.sem_alloc : memref<!tpu.dma_semaphore, #tpu.memory_space<semaphore_mem>>
        %dma_start3A_65 = arith.constant 0 : i32
        %dma_start3A_66 = arith.constant 0 : i32
        %dma_start3A_67 = tpu.memref_slice %arg7[%dma_start3A_65, %dma_start3A_66] : memref<10240x128xf32, #tpu.memory_space<vmem_shared>> -> memref<10240x128xf32, #tpu.memory_space<vmem_shared>>
        tpu.enqueue_indirect_dma source(%arg12 : memref<200x128xf32, #tpu.memory_space<vmem>>) target(%dma_start3A_67 : memref<10240x128xf32, #tpu.memory_space<vmem_shared>>) offsets(%arg11 : memref<200xi32, #tpu.memory_space<vmem>>) semaphore(%run_scoped3A : memref<!tpu.dma_semaphore, #tpu.memory_space<semaphore_mem>>) {add = true}
        %dma_wait3A_68 = arith.constant 0 : i32
        %dma_wait3A_69 = arith.constant 0 : i32
        %dma_wait3A_70 = tpu.memref_slice %arg7[%dma_wait3A_68, %dma_wait3A_69] : memref<10240x128xf32, #tpu.memory_space<vmem_shared>> -> memref<10240x128xf32, #tpu.memory_space<vmem_shared>>
        tpu.wait_indirect_dma semaphore(%run_scoped3A : memref<!tpu.dma_semaphore, #tpu.memory_space<semaphore_mem>>) src(%arg12 : memref<200x128xf32, #tpu.memory_space<vmem>>) dst(%dma_wait3A_70 : memref<10240x128xf32, #tpu.memory_space<vmem_shared>>)
        tpu.yield
      }) : () -> ()
      %lt3A_60 = arith.constant 24 : i32
      %lt3A_61 = arith.cmpi slt, %scan3A_26, %lt3A_60 : i32
      %convert_element_type3A_62 = arith.extui %lt3A_61 : i1 to i32
      %cond3A_63 = arith.constant 0 : i32
      %cond3A_64 = arith.cmpi ne, %convert_element_type3A_62, %cond3A_63 : i32
      scf.if %cond3A_64 {
        %add3A_65 = arith.constant 2 : i32
        %add3A_66 = arith.addi %add3A_46, %add3A_65 : i32
        %mul3A_67 = arith.constant 200 : i32
        %mul3A_68 = arith.muli %add3A_66, %mul3A_67 : i32
        %add3A_69 = arith.addi %mul3A_2, %mul3A_68 : i32
        %dma_start3A_70 = tpu.memref_slice %arg3[%add3A_69] : memref<320000xi32, #tpu.memory_space<hbm>> -> memref<200xi32, #tpu.memory_space<hbm>>
        %dma_start3A_71 = tpu.memref_slice %arg3[%add3A_69] : memref<320000xi32, #tpu.memory_space<hbm>> -> memref<200xi32, #tpu.memory_space<hbm>>
        tpu.enqueue_dma source(%dma_start3A_71 : memref<200xi32, #tpu.memory_space<hbm>>) target(%arg10 : memref<200xi32, #tpu.memory_space<vmem>>) target_semaphore(%arg15 : memref<!tpu.dma_semaphore, #tpu.memory_space<semaphore_mem>>)
        %dma_start3A_72 = tpu.memref_slice %arg4[%add3A_69] : memref<320000xi32, #tpu.memory_space<hbm>> -> memref<200xi32, #tpu.memory_space<hbm>>
        %dma_start3A_73 = tpu.memref_slice %arg4[%add3A_69] : memref<320000xi32, #tpu.memory_space<hbm>> -> memref<200xi32, #tpu.memory_space<hbm>>
        tpu.enqueue_dma source(%dma_start3A_73 : memref<200xi32, #tpu.memory_space<hbm>>) target(%arg11 : memref<200xi32, #tpu.memory_space<vmem>>) target_semaphore(%arg15 : memref<!tpu.dma_semaphore, #tpu.memory_space<semaphore_mem>>)
      } else {
      }
    }
    %scan3A_20 = arith.constant 25 : i32
    %barrier3A_21 = arith.constant 0 : index
    tpu.barrier barrier_id(%barrier3A_21)
    %mul3A_22 = arith.constant 640 : i32
    %mul3A_23 = arith.muli %arg1, %mul3A_22 : i32
    %mul3A_24 = arith.constant 640 : i32
    %mul3A_25 = arith.muli %arg1, %mul3A_24 : i32
    "tpu.region"() ({
      %run_scoped3A = tpu.sem_alloc : memref<!tpu.dma_semaphore, #tpu.memory_space<semaphore_mem>>
      %dma_start3A_26 = arith.constant 0 : i32
      %dma_start3A_27 = tpu.memref_slice %arg6[%arg0, %mul3A_25, %dma_start3A_26] : memref<2x10240x128xf32, #tpu.memory_space<hbm>> -> memref<1x640x128xf32, #tpu.memory_space<hbm>>
      %dma_start3A_28 = tpu.memref_squeeze %dma_start3A_27 : memref<1x640x128xf32, #tpu.memory_space<hbm>> -> memref<640x128xf32, #tpu.memory_space<hbm>>
      %dma_start3A_29 = arith.constant 0 : i32
      %dma_start3A_30 = tpu.memref_slice %arg7[%mul3A_23, %dma_start3A_29] : memref<10240x128xf32, #tpu.memory_space<vmem_shared>> -> memref<640x128xf32, #tpu.memory_space<vmem_shared>>
      tpu.enqueue_dma source(%dma_start3A_30 : memref<640x128xf32, #tpu.memory_space<vmem_shared>>) target(%dma_start3A_28 : memref<640x128xf32, #tpu.memory_space<hbm>>) target_semaphore(%run_scoped3A : memref<!tpu.dma_semaphore, #tpu.memory_space<semaphore_mem>>)
      %dma_wait3A = arith.constant 0 : i32
      %dma_wait3A_31 = tpu.memref_slice %arg6[%arg0, %mul3A_25, %dma_wait3A] : memref<2x10240x128xf32, #tpu.memory_space<hbm>> -> memref<1x640x128xf32, #tpu.memory_space<hbm>>
      %dma_wait3A_32 = tpu.memref_squeeze %dma_wait3A_31 : memref<1x640x128xf32, #tpu.memory_space<hbm>> -> memref<640x128xf32, #tpu.memory_space<hbm>>
      %dma_wait3A_33 = arith.constant 0 : i32
      %dma_wait3A_34 = tpu.memref_slice %arg7[%mul3A_23, %dma_wait3A_33] : memref<10240x128xf32, #tpu.memory_space<vmem_shared>> -> memref<640x128xf32, #tpu.memory_space<vmem_shared>>
      tpu.wait_dma2 semaphore(%run_scoped3A : memref<!tpu.dma_semaphore, #tpu.memory_space<semaphore_mem>>) src(%dma_wait3A_34 : memref<640x128xf32, #tpu.memory_space<vmem_shared>>) dst(%dma_wait3A_32 : memref<640x128xf32, #tpu.memory_space<hbm>>)
      tpu.yield
    }) : () -> ()
    return
  }
}

#map = affine_map<(d0, d1) -> (0, 0)>
#map1 = affine_map<(d0, d1) -> (0)>
#map2 = affine_map<(d0, d1) -> (0, 0, 0)>
module attributes {stable_mosaic.version = 14 : i64} {
  func.func @_seg_sum_body(%arg0: i32, %arg1: i32, %arg2: memref<10000x128xf32, #tpu.memory_space<hbm>>, %arg3: memref<320000xi32, #tpu.memory_space<hbm>>, %arg4: memref<320000xi32, #tpu.memory_space<hbm>>, %arg5: memref<640x128xf32, #tpu.memory_space<hbm>>, %arg6: memref<2x10240x128xf32, #tpu.memory_space<hbm>>, %arg7: memref<10240x128xf32, #tpu.memory_space<vmem_shared>>, %arg8: memref<200xi32, #tpu.memory_space<vmem>>, %arg9: memref<200xi32, #tpu.memory_space<vmem>>, %arg10: memref<200xi32, #tpu.memory_space<vmem>>, %arg11: memref<200xi32, #tpu.memory_space<vmem>>, %arg12: memref<200x128xf32, #tpu.memory_space<vmem>>, %arg13: memref<!tpu.dma_semaphore, #tpu.memory_space<semaphore_mem>>, %arg14: memref<!tpu.dma_semaphore, #tpu.memory_space<semaphore_mem>>, %arg15: memref<!tpu.dma_semaphore, #tpu.memory_space<semaphore_mem>>) attributes {dimension_semantics = [#tpu.dimension_semantics<core_parallel>, #tpu.dimension_semantics<subcore_parallel>], iteration_bounds = array<i64: 2, 16>, scalar_prefetch = 0 : i64, scratch_operands = 9 : i64, tpu.core_type = #tpu.core_type<sc_vector_subcore>, window_params = [{transform_indices = #map}, {transform_indices = #map1}, {transform_indices = #map1}, {transform_indices = #map}, {transform_indices = #map2}]} {
    %mul3A = arith.constant 16 : i32
    %mul3A_0 = arith.muli %arg0, %mul3A : i32
    %add3A = arith.addi %mul3A_0, %arg1 : i32
    %mul3A_1 = arith.constant 10000 : i32
    %mul3A_2 = arith.muli %add3A, %mul3A_1 : i32
    %add3A_3 = arith.constant 0 : i32
    %add3A_4 = arith.addi %mul3A_2, %add3A_3 : i32
    %dma_start3A = tpu.memref_slice %arg3[%add3A_4] : memref<320000xi32, #tpu.memory_space<hbm>> -> memref<200xi32, #tpu.memory_space<hbm>>
    %dma_start3A_5 = tpu.memref_slice %arg3[%add3A_4] : memref<320000xi32, #tpu.memory_space<hbm>> -> memref<200xi32, #tpu.memory_space<hbm>>
    tpu.enqueue_dma source(%dma_start3A_5 : memref<200xi32, #tpu.memory_space<hbm>>) target(%arg8 : memref<200xi32, #tpu.memory_space<vmem>>) target_semaphore(%arg14 : memref<!tpu.dma_semaphore, #tpu.memory_space<semaphore_mem>>)
    %dma_start3A_6 = tpu.memref_slice %arg4[%add3A_4] : memref<320000xi32, #tpu.memory_space<hbm>> -> memref<200xi32, #tpu.memory_space<hbm>>
    %dma_start3A_7 = tpu.memref_slice %arg4[%add3A_4] : memref<320000xi32, #tpu.memory_space<hbm>> -> memref<200xi32, #tpu.memory_space<hbm>>
    tpu.enqueue_dma source(%dma_start3A_7 : memref<200xi32, #tpu.memory_space<hbm>>) target(%arg9 : memref<200xi32, #tpu.memory_space<vmem>>) target_semaphore(%arg14 : memref<!tpu.dma_semaphore, #tpu.memory_space<semaphore_mem>>)
    %add3A_8 = arith.constant 200 : i32
    %add3A_9 = arith.addi %mul3A_2, %add3A_8 : i32
    %dma_start3A_10 = tpu.memref_slice %arg3[%add3A_9] : memref<320000xi32, #tpu.memory_space<hbm>> -> memref<200xi32, #tpu.memory_space<hbm>>
    %dma_start3A_11 = tpu.memref_slice %arg3[%add3A_9] : memref<320000xi32, #tpu.memory_space<hbm>> -> memref<200xi32, #tpu.memory_space<hbm>>
    tpu.enqueue_dma source(%dma_start3A_11 : memref<200xi32, #tpu.memory_space<hbm>>) target(%arg10 : memref<200xi32, #tpu.memory_space<vmem>>) target_semaphore(%arg15 : memref<!tpu.dma_semaphore, #tpu.memory_space<semaphore_mem>>)
    %dma_start3A_12 = tpu.memref_slice %arg4[%add3A_9] : memref<320000xi32, #tpu.memory_space<hbm>> -> memref<200xi32, #tpu.memory_space<hbm>>
    %dma_start3A_13 = tpu.memref_slice %arg4[%add3A_9] : memref<320000xi32, #tpu.memory_space<hbm>> -> memref<200xi32, #tpu.memory_space<hbm>>
    tpu.enqueue_dma source(%dma_start3A_13 : memref<200xi32, #tpu.memory_space<hbm>>) target(%arg11 : memref<200xi32, #tpu.memory_space<vmem>>) target_semaphore(%arg15 : memref<!tpu.dma_semaphore, #tpu.memory_space<semaphore_mem>>)
    %mul3A_14 = arith.constant 640 : i32
    %mul3A_15 = arith.muli %arg1, %mul3A_14 : i32
    "tpu.region"() ({
      %run_scoped3A = tpu.sem_alloc : memref<!tpu.dma_semaphore, #tpu.memory_space<semaphore_mem>>
      %dma_start3A_26 = arith.constant 0 : i32
      %dma_start3A_27 = tpu.memref_slice %arg7[%mul3A_15, %dma_start3A_26] : memref<10240x128xf32, #tpu.memory_space<vmem_shared>> -> memref<640x128xf32, #tpu.memory_space<vmem_shared>>
      tpu.enqueue_dma source(%arg5 : memref<640x128xf32, #tpu.memory_space<hbm>>) target(%dma_start3A_27 : memref<640x128xf32, #tpu.memory_space<vmem_shared>>) target_semaphore(%run_scoped3A : memref<!tpu.dma_semaphore, #tpu.memory_space<semaphore_mem>>)
      %dma_wait3A = arith.constant 0 : i32
      %dma_wait3A_28 = tpu.memref_slice %arg7[%mul3A_15, %dma_wait3A] : memref<10240x128xf32, #tpu.memory_space<vmem_shared>> -> memref<640x128xf32, #tpu.memory_space<vmem_shared>>
      tpu.wait_dma2 semaphore(%run_scoped3A : memref<!tpu.dma_semaphore, #tpu.memory_space<semaphore_mem>>) src(%arg5 : memref<640x128xf32, #tpu.memory_space<hbm>>) dst(%dma_wait3A_28 : memref<640x128xf32, #tpu.memory_space<vmem_shared>>)
      tpu.yield
    }) : () -> ()
    %barrier3A = arith.constant 0 : index
    tpu.barrier barrier_id(%barrier3A)
    %scan3A = arith.constant 0 : i32
    %scan3A_16 = arith.constant 0 : i32
    %scan3A_17 = arith.constant 25 : i32
    %scan3A_18 = arith.addi %scan3A_16, %scan3A_17 : i32
    %scan3A_19 = arith.constant 1 : i32
    scf.for %scan3A_26 = %scan3A_16 to %scan3A_18 step %scan3A_19  : i32 {
      %mul3A_27 = arith.constant 2 : i32
      %mul3A_28 = arith.muli %mul3A_27, %scan3A_26 : i32
      %mul3A_29 = arith.constant 200 : i32
      %mul3A_30 = arith.muli %mul3A_28, %mul3A_29 : i32
      %add3A_31 = arith.addi %mul3A_2, %mul3A_30 : i32
      %dma_wait3A = tpu.memref_slice %arg3[%add3A_31] : memref<320000xi32, #tpu.memory_space<hbm>> -> memref<200xi32, #tpu.memory_space<hbm>>
      %dma_wait3A_32 = tpu.memref_slice %arg3[%add3A_31] : memref<320000xi32, #tpu.memory_space<hbm>> -> memref<200xi32, #tpu.memory_space<hbm>>
      tpu.wait_dma2 semaphore(%arg14 : memref<!tpu.dma_semaphore, #tpu.memory_space<semaphore_mem>>) src(%dma_wait3A_32 : memref<200xi32, #tpu.memory_space<hbm>>) dst(%arg8 : memref<200xi32, #tpu.memory_space<vmem>>)
      %dma_wait3A_33 = tpu.memref_slice %arg4[%add3A_31] : memref<320000xi32, #tpu.memory_space<hbm>> -> memref<200xi32, #tpu.memory_space<hbm>>
      %dma_wait3A_34 = tpu.memref_slice %arg4[%add3A_31] : memref<320000xi32, #tpu.memory_space<hbm>> -> memref<200xi32, #tpu.memory_space<hbm>>
      tpu.wait_dma2 semaphore(%arg14 : memref<!tpu.dma_semaphore, #tpu.memory_space<semaphore_mem>>) src(%dma_wait3A_34 : memref<200xi32, #tpu.memory_space<hbm>>) dst(%arg9 : memref<200xi32, #tpu.memory_space<vmem>>)
      %dma_start3A_35 = arith.constant 0 : i32
      %dma_start3A_36 = arith.constant 0 : i32
      %dma_start3A_37 = tpu.memref_slice %arg2[%dma_start3A_35, %dma_start3A_36] : memref<10000x128xf32, #tpu.memory_space<hbm>> -> memref<10000x128xf32, #tpu.memory_space<hbm>>
      tpu.enqueue_indirect_dma source(%dma_start3A_37 : memref<10000x128xf32, #tpu.memory_space<hbm>>) target(%arg12 : memref<200x128xf32, #tpu.memory_space<vmem>>) offsets(%arg8 : memref<200xi32, #tpu.memory_space<vmem>>) semaphore(%arg13 : memref<!tpu.dma_semaphore, #tpu.memory_space<semaphore_mem>>)
      %dma_wait3A_38 = arith.constant 0 : i32
      %dma_wait3A_39 = arith.constant 0 : i32
      %dma_wait3A_40 = tpu.memref_slice %arg2[%dma_wait3A_38, %dma_wait3A_39] : memref<10000x128xf32, #tpu.memory_space<hbm>> -> memref<10000x128xf32, #tpu.memory_space<hbm>>
      tpu.wait_indirect_dma semaphore(%arg13 : memref<!tpu.dma_semaphore, #tpu.memory_space<semaphore_mem>>) src(%dma_wait3A_40 : memref<10000x128xf32, #tpu.memory_space<hbm>>) dst(%arg12 : memref<200x128xf32, #tpu.memory_space<vmem>>)
      "tpu.region"() ({
        %run_scoped3A = tpu.sem_alloc : memref<!tpu.dma_semaphore, #tpu.memory_space<semaphore_mem>>
        %dma_start3A_65 = arith.constant 0 : i32
        %dma_start3A_66 = arith.constant 0 : i32
        %dma_start3A_67 = tpu.memref_slice %arg7[%dma_start3A_65, %dma_start3A_66] : memref<10240x128xf32, #tpu.memory_space<vmem_shared>> -> memref<10240x128xf32, #tpu.memory_space<vmem_shared>>
        tpu.enqueue_indirect_dma source(%arg12 : memref<200x128xf32, #tpu.memory_space<vmem>>) target(%dma_start3A_67 : memref<10240x128xf32, #tpu.memory_space<vmem_shared>>) offsets(%arg9 : memref<200xi32, #tpu.memory_space<vmem>>) semaphore(%run_scoped3A : memref<!tpu.dma_semaphore, #tpu.memory_space<semaphore_mem>>) {add = true}
        %dma_wait3A_68 = arith.constant 0 : i32
        %dma_wait3A_69 = arith.constant 0 : i32
        %dma_wait3A_70 = tpu.memref_slice %arg7[%dma_wait3A_68, %dma_wait3A_69] : memref<10240x128xf32, #tpu.memory_space<vmem_shared>> -> memref<10240x128xf32, #tpu.memory_space<vmem_shared>>
        tpu.wait_indirect_dma semaphore(%run_scoped3A : memref<!tpu.dma_semaphore, #tpu.memory_space<semaphore_mem>>) src(%arg12 : memref<200x128xf32, #tpu.memory_space<vmem>>) dst(%dma_wait3A_70 : memref<10240x128xf32, #tpu.memory_space<vmem_shared>>)
        tpu.yield
      }) : () -> ()
      %lt3A = arith.constant 24 : i32
      %lt3A_41 = arith.cmpi slt, %scan3A_26, %lt3A : i32
      %convert_element_type3A = arith.extui %lt3A_41 : i1 to i32
      %cond3A = arith.constant 0 : i32
      %cond3A_42 = arith.cmpi ne, %convert_element_type3A, %cond3A : i32
      scf.if %cond3A_42 {
        %add3A_65 = arith.constant 2 : i32
        %add3A_66 = arith.addi %mul3A_28, %add3A_65 : i32
        %mul3A_67 = arith.constant 200 : i32
        %mul3A_68 = arith.muli %add3A_66, %mul3A_67 : i32
        %add3A_69 = arith.addi %mul3A_2, %mul3A_68 : i32
        %dma_start3A_70 = tpu.memref_slice %arg3[%add3A_69] : memref<320000xi32, #tpu.memory_space<hbm>> -> memref<200xi32, #tpu.memory_space<hbm>>
        %dma_start3A_71 = tpu.memref_slice %arg3[%add3A_69] : memref<320000xi32, #tpu.memory_space<hbm>> -> memref<200xi32, #tpu.memory_space<hbm>>
        tpu.enqueue_dma source(%dma_start3A_71 : memref<200xi32, #tpu.memory_space<hbm>>) target(%arg8 : memref<200xi32, #tpu.memory_space<vmem>>) target_semaphore(%arg14 : memref<!tpu.dma_semaphore, #tpu.memory_space<semaphore_mem>>)
        %dma_start3A_72 = tpu.memref_slice %arg4[%add3A_69] : memref<320000xi32, #tpu.memory_space<hbm>> -> memref<200xi32, #tpu.memory_space<hbm>>
        %dma_start3A_73 = tpu.memref_slice %arg4[%add3A_69] : memref<320000xi32, #tpu.memory_space<hbm>> -> memref<200xi32, #tpu.memory_space<hbm>>
        tpu.enqueue_dma source(%dma_start3A_73 : memref<200xi32, #tpu.memory_space<hbm>>) target(%arg9 : memref<200xi32, #tpu.memory_space<vmem>>) target_semaphore(%arg14 : memref<!tpu.dma_semaphore, #tpu.memory_space<semaphore_mem>>)
      } else {
      }
      %mul3A_43 = arith.constant 2 : i32
      %mul3A_44 = arith.muli %mul3A_43, %scan3A_26 : i32
      %add3A_45 = arith.constant 1 : i32
      %add3A_46 = arith.addi %mul3A_44, %add3A_45 : i32
      %mul3A_47 = arith.constant 200 : i32
      %mul3A_48 = arith.muli %add3A_46, %mul3A_47 : i32
      %add3A_49 = arith.addi %mul3A_2, %mul3A_48 : i32
      %dma_wait3A_50 = tpu.memref_slice %arg3[%add3A_49] : memref<320000xi32, #tpu.memory_space<hbm>> -> memref<200xi32, #tpu.memory_space<hbm>>
      %dma_wait3A_51 = tpu.memref_slice %arg3[%add3A_49] : memref<320000xi32, #tpu.memory_space<hbm>> -> memref<200xi32, #tpu.memory_space<hbm>>
      tpu.wait_dma2 semaphore(%arg15 : memref<!tpu.dma_semaphore, #tpu.memory_space<semaphore_mem>>) src(%dma_wait3A_51 : memref<200xi32, #tpu.memory_space<hbm>>) dst(%arg10 : memref<200xi32, #tpu.memory_space<vmem>>)
      %dma_wait3A_52 = tpu.memref_slice %arg4[%add3A_49] : memref<320000xi32, #tpu.memory_space<hbm>> -> memref<200xi32, #tpu.memory_space<hbm>>
      %dma_wait3A_53 = tpu.memref_slice %arg4[%add3A_49] : memref<320000xi32, #tpu.memory_space<hbm>> -> memref<200xi32, #tpu.memory_space<hbm>>
      tpu.wait_dma2 semaphore(%arg15 : memref<!tpu.dma_semaphore, #tpu.memory_space<semaphore_mem>>) src(%dma_wait3A_53 : memref<200xi32, #tpu.memory_space<hbm>>) dst(%arg11 : memref<200xi32, #tpu.memory_space<vmem>>)
      %dma_start3A_54 = arith.constant 0 : i32
      %dma_start3A_55 = arith.constant 0 : i32
      %dma_start3A_56 = tpu.memref_slice %arg2[%dma_start3A_54, %dma_start3A_55] : memref<10000x128xf32, #tpu.memory_space<hbm>> -> memref<10000x128xf32, #tpu.memory_space<hbm>>
      tpu.enqueue_indirect_dma source(%dma_start3A_56 : memref<10000x128xf32, #tpu.memory_space<hbm>>) target(%arg12 : memref<200x128xf32, #tpu.memory_space<vmem>>) offsets(%arg10 : memref<200xi32, #tpu.memory_space<vmem>>) semaphore(%arg13 : memref<!tpu.dma_semaphore, #tpu.memory_space<semaphore_mem>>)
      %dma_wait3A_57 = arith.constant 0 : i32
      %dma_wait3A_58 = arith.constant 0 : i32
      %dma_wait3A_59 = tpu.memref_slice %arg2[%dma_wait3A_57, %dma_wait3A_58] : memref<10000x128xf32, #tpu.memory_space<hbm>> -> memref<10000x128xf32, #tpu.memory_space<hbm>>
      tpu.wait_indirect_dma semaphore(%arg13 : memref<!tpu.dma_semaphore, #tpu.memory_space<semaphore_mem>>) src(%dma_wait3A_59 : memref<10000x128xf32, #tpu.memory_space<hbm>>) dst(%arg12 : memref<200x128xf32, #tpu.memory_space<vmem>>)
      "tpu.region"() ({
        %run_scoped3A = tpu.sem_alloc : memref<!tpu.dma_semaphore, #tpu.memory_space<semaphore_mem>>
        %dma_start3A_65 = arith.constant 0 : i32
        %dma_start3A_66 = arith.constant 0 : i32
        %dma_start3A_67 = tpu.memref_slice %arg7[%dma_start3A_65, %dma_start3A_66] : memref<10240x128xf32, #tpu.memory_space<vmem_shared>> -> memref<10240x128xf32, #tpu.memory_space<vmem_shared>>
        tpu.enqueue_indirect_dma source(%arg12 : memref<200x128xf32, #tpu.memory_space<vmem>>) target(%dma_start3A_67 : memref<10240x128xf32, #tpu.memory_space<vmem_shared>>) offsets(%arg11 : memref<200xi32, #tpu.memory_space<vmem>>) semaphore(%run_scoped3A : memref<!tpu.dma_semaphore, #tpu.memory_space<semaphore_mem>>) {add = true}
        %dma_wait3A_68 = arith.constant 0 : i32
        %dma_wait3A_69 = arith.constant 0 : i32
        %dma_wait3A_70 = tpu.memref_slice %arg7[%dma_wait3A_68, %dma_wait3A_69] : memref<10240x128xf32, #tpu.memory_space<vmem_shared>> -> memref<10240x128xf32, #tpu.memory_space<vmem_shared>>
        tpu.wait_indirect_dma semaphore(%run_scoped3A : memref<!tpu.dma_semaphore, #tpu.memory_space<semaphore_mem>>) src(%arg12 : memref<200x128xf32, #tpu.memory_space<vmem>>) dst(%dma_wait3A_70 : memref<10240x128xf32, #tpu.memory_space<vmem_shared>>)
        tpu.yield
      }) : () -> ()
      %lt3A_60 = arith.constant 24 : i32
      %lt3A_61 = arith.cmpi slt, %scan3A_26, %lt3A_60 : i32
      %convert_element_type3A_62 = arith.extui %lt3A_61 : i1 to i32
      %cond3A_63 = arith.constant 0 : i32
      %cond3A_64 = arith.cmpi ne, %convert_element_type3A_62, %cond3A_63 : i32
      scf.if %cond3A_64 {
        %add3A_65 = arith.constant 2 : i32
        %add3A_66 = arith.addi %add3A_46, %add3A_65 : i32
        %mul3A_67 = arith.constant 200 : i32
        %mul3A_68 = arith.muli %add3A_66, %mul3A_67 : i32
        %add3A_69 = arith.addi %mul3A_2, %mul3A_68 : i32
        %dma_start3A_70 = tpu.memref_slice %arg3[%add3A_69] : memref<320000xi32, #tpu.memory_space<hbm>> -> memref<200xi32, #tpu.memory_space<hbm>>
        %dma_start3A_71 = tpu.memref_slice %arg3[%add3A_69] : memref<320000xi32, #tpu.memory_space<hbm>> -> memref<200xi32, #tpu.memory_space<hbm>>
        tpu.enqueue_dma source(%dma_start3A_71 : memref<200xi32, #tpu.memory_space<hbm>>) target(%arg10 : memref<200xi32, #tpu.memory_space<vmem>>) target_semaphore(%arg15 : memref<!tpu.dma_semaphore, #tpu.memory_space<semaphore_mem>>)
        %dma_start3A_72 = tpu.memref_slice %arg4[%add3A_69] : memref<320000xi32, #tpu.memory_space<hbm>> -> memref<200xi32, #tpu.memory_space<hbm>>
        %dma_start3A_73 = tpu.memref_slice %arg4[%add3A_69] : memref<320000xi32, #tpu.memory_space<hbm>> -> memref<200xi32, #tpu.memory_space<hbm>>
        tpu.enqueue_dma source(%dma_start3A_73 : memref<200xi32, #tpu.memory_space<hbm>>) target(%arg11 : memref<200xi32, #tpu.memory_space<vmem>>) target_semaphore(%arg15 : memref<!tpu.dma_semaphore, #tpu.memory_space<semaphore_mem>>)
      } else {
      }
    }
    %scan3A_20 = arith.constant 25 : i32
    %barrier3A_21 = arith.constant 0 : index
    tpu.barrier barrier_id(%barrier3A_21)
    %mul3A_22 = arith.constant 640 : i32
    %mul3A_23 = arith.muli %arg1, %mul3A_22 : i32
    %mul3A_24 = arith.constant 640 : i32
    %mul3A_25 = arith.muli %arg1, %mul3A_24 : i32
    "tpu.region"() ({
      %run_scoped3A = tpu.sem_alloc : memref<!tpu.dma_semaphore, #tpu.memory_space<semaphore_mem>>
      %dma_start3A_26 = arith.constant 0 : i32
      %dma_start3A_27 = tpu.memref_slice %arg6[%arg0, %mul3A_25, %dma_start3A_26] : memref<2x10240x128xf32, #tpu.memory_space<hbm>> -> memref<1x640x128xf32, #tpu.memory_space<hbm>>
      %dma_start3A_28 = tpu.memref_squeeze %dma_start3A_27 : memref<1x640x128xf32, #tpu.memory_space<hbm>> -> memref<640x128xf32, #tpu.memory_space<hbm>>
      %dma_start3A_29 = arith.constant 0 : i32
      %dma_start3A_30 = tpu.memref_slice %arg7[%mul3A_23, %dma_start3A_29] : memref<10240x128xf32, #tpu.memory_space<vmem_shared>> -> memref<640x128xf32, #tpu.memory_space<vmem_shared>>
      tpu.enqueue_dma source(%dma_start3A_30 : memref<640x128xf32, #tpu.memory_space<vmem_shared>>) target(%dma_start3A_28 : memref<640x128xf32, #tpu.memory_space<hbm>>) target_semaphore(%run_scoped3A : memref<!tpu.dma_semaphore, #tpu.memory_space<semaphore_mem>>)
      %dma_wait3A = arith.constant 0 : i32
      %dma_wait3A_31 = tpu.memref_slice %arg6[%arg0, %mul3A_25, %dma_wait3A] : memref<2x10240x128xf32, #tpu.memory_space<hbm>> -> memref<1x640x128xf32, #tpu.memory_space<hbm>>
      %dma_wait3A_32 = tpu.memref_squeeze %dma_wait3A_31 : memref<1x640x128xf32, #tpu.memory_space<hbm>> -> memref<640x128xf32, #tpu.memory_space<hbm>>
      %dma_wait3A_33 = arith.constant 0 : i32
      %dma_wait3A_34 = tpu.memref_slice %arg7[%mul3A_23, %dma_wait3A_33] : memref<10240x128xf32, #tpu.memory_space<vmem_shared>> -> memref<640x128xf32, #tpu.memory_space<vmem_shared>>
      tpu.wait_dma2 semaphore(%run_scoped3A : memref<!tpu.dma_semaphore, #tpu.memory_space<semaphore_mem>>) src(%dma_wait3A_34 : memref<640x128xf32, #tpu.memory_space<vmem_shared>>) dst(%dma_wait3A_32 : memref<640x128xf32, #tpu.memory_space<hbm>>)
      tpu.yield
    }) : () -> ()
    return
  }
}

module attributes {stable_mosaic.version = 14 : i64} {
  func.func @_dense_body(%arg0: i32, %arg1: memref<2x5000x128xf32, #tpu.memory_space<vmem>>, %arg2: memref<5000x128xf32, #tpu.memory_space<vmem>>, %arg3: memref<128x128xf32, #tpu.memory_space<vmem>>, %arg4: memref<1x128xf32, #tpu.memory_space<vmem>>, %arg5: memref<128x128xf32, #tpu.memory_space<vmem>>, %arg6: memref<1x128xf32, #tpu.memory_space<vmem>>, %arg7: memref<1x128xf32, #tpu.memory_space<vmem>>, %arg8: memref<128x128xf32, #tpu.memory_space<vmem>>, %arg9: memref<1x128xf32, #tpu.memory_space<vmem>>, %arg10: memref<5000x128xf32, #tpu.memory_space<vmem>>) attributes {dimension_semantics = [#tpu.dimension_semantics<arbitrary>], iteration_bounds = array<i64: 2>, scalar_prefetch = 0 : i64, scratch_operands = 0 : i64, tpu.core_type = #tpu.core_type<tc>, window_params = [{transform_indices = @transform_0, window_bounds = array<i64: 2, 5000, 128>}, {transform_indices = @transform_1, window_bounds = array<i64: 5000, 128>}, {pipeline_mode = #tpu.pipeline_mode<synchronous>, transform_indices = @transform_2, window_bounds = array<i64: 128, 128>}, {pipeline_mode = #tpu.pipeline_mode<synchronous>, transform_indices = @transform_3, window_bounds = array<i64: 1, 128>}, {pipeline_mode = #tpu.pipeline_mode<synchronous>, transform_indices = @transform_4, window_bounds = array<i64: 128, 128>}, {pipeline_mode = #tpu.pipeline_mode<synchronous>, transform_indices = @transform_5, window_bounds = array<i64: 1, 128>}, {pipeline_mode = #tpu.pipeline_mode<synchronous>, transform_indices = @transform_6, window_bounds = array<i64: 1, 128>}, {pipeline_mode = #tpu.pipeline_mode<synchronous>, transform_indices = @transform_7, window_bounds = array<i64: 128, 128>}, {pipeline_mode = #tpu.pipeline_mode<synchronous>, transform_indices = @transform_8, window_bounds = array<i64: 1, 128>}, {transform_indices = @transform_9, window_bounds = array<i64: 5000, 128>}]} {
    %get3A = arith.constant 0 : index
    %get3A_0 = arith.constant 0 : index
    %get3A_1 = arith.constant 0 : index
    %get3A_2 = vector.load %arg1[%get3A, %get3A_0, %get3A_1] : memref<2x5000x128xf32, #tpu.memory_space<vmem>>, vector<1x5000x128xf32>
    %get3A_3 = vector.shape_cast %get3A_2 : vector<1x5000x128xf32> to vector<5000x128xf32>
    %get3A_4 = arith.constant 1 : index
    %get3A_5 = arith.constant 0 : index
    %get3A_6 = arith.constant 0 : index
    %get3A_7 = vector.load %arg1[%get3A_4, %get3A_5, %get3A_6] : memref<2x5000x128xf32, #tpu.memory_space<vmem>>, vector<1x5000x128xf32>
    %get3A_8 = vector.shape_cast %get3A_7 : vector<1x5000x128xf32> to vector<5000x128xf32>
    %add3A = arith.addf %get3A_3, %get3A_8 : vector<5000x128xf32>
    %get3A_9 = arith.constant 0 : index
    %get3A_10 = arith.constant 0 : index
    %get3A_11 = vector.load %arg3[%get3A_9, %get3A_10] : memref<128x128xf32, #tpu.memory_space<vmem>>, vector<128x128xf32>
    %dot_general3A = arith.constant dense<0.000000e+00> : vector<5000x128xf32>
    %dot_general3A_12 = tpu.matmul %add3A, %get3A_11, %dot_general3A {dimension_numbers = #tpu.dot_dimension_numbers<[1], [0], [0], [1], [0, 0, 1, 1], [], []>, transpose_lhs_hint = false} : vector<5000x128xf32>, vector<128x128xf32>, vector<5000x128xf32> -> vector<5000x128xf32>
    %get3A_13 = arith.constant 0 : index
    %get3A_14 = arith.constant 0 : index
    %get3A_15 = vector.load %arg2[%get3A_13, %get3A_14] : memref<5000x128xf32, #tpu.memory_space<vmem>>, vector<5000x128xf32>
    %get3A_16 = arith.constant 0 : index
    %get3A_17 = arith.constant 0 : index
    %get3A_18 = vector.load %arg5[%get3A_16, %get3A_17] : memref<128x128xf32, #tpu.memory_space<vmem>>, vector<128x128xf32>
    %dot_general3A_19 = arith.constant dense<0.000000e+00> : vector<5000x128xf32>
    %dot_general3A_20 = tpu.matmul %get3A_15, %get3A_18, %dot_general3A_19 {dimension_numbers = #tpu.dot_dimension_numbers<[1], [0], [0], [1], [0, 0, 1, 1], [], []>, transpose_lhs_hint = false} : vector<5000x128xf32>, vector<128x128xf32>, vector<5000x128xf32> -> vector<5000x128xf32>
    %add3A_21 = arith.addf %dot_general3A_12, %dot_general3A_20 : vector<5000x128xf32>
    %get3A_22 = arith.constant 0 : index
    %get3A_23 = arith.constant 0 : index
    %get3A_24 = vector.load %arg4[%get3A_22, %get3A_23] : memref<1x128xf32, #tpu.memory_space<vmem>>, vector<1x128xf32>
    %add3A_25 = vector.broadcast %get3A_24 : vector<1x128xf32> to vector<5000x128xf32>
    %add3A_26 = arith.addf %add3A_21, %add3A_25 : vector<5000x128xf32>
    %reduce_sum3A = arith.constant dense<0.000000e+00> : vector<5000xf32>
    %reduce_sum3A_27 = vector.multi_reduction <add>, %add3A_26, %reduce_sum3A [1] : vector<5000x128xf32> to vector<5000xf32>
    %broadcast_in_dim3A = vector.shape_cast %reduce_sum3A_27 : vector<5000xf32> to vector<5000x1xf32>
    %div3A = arith.constant 1.280000e+02 : f32
    %div3A_28 = vector.broadcast %div3A : f32 to vector<5000x1xf32>
    %div3A_29 = arith.divf %broadcast_in_dim3A, %div3A_28 : vector<5000x1xf32>
    %sub3A = vector.broadcast %div3A_29 : vector<5000x1xf32> to vector<5000x128xf32>
    %sub3A_30 = arith.subf %add3A_26, %sub3A : vector<5000x128xf32>
    %sub3A_31 = vector.broadcast %div3A_29 : vector<5000x1xf32> to vector<5000x128xf32>
    %sub3A_32 = arith.subf %add3A_26, %sub3A_31 : vector<5000x128xf32>
    %mul3A = arith.mulf %sub3A_30, %sub3A_32 : vector<5000x128xf32>
    %reduce_sum3A_33 = arith.constant dense<0.000000e+00> : vector<5000xf32>
    %reduce_sum3A_34 = vector.multi_reduction <add>, %mul3A, %reduce_sum3A_33 [1] : vector<5000x128xf32> to vector<5000xf32>
    %broadcast_in_dim3A_35 = vector.shape_cast %reduce_sum3A_34 : vector<5000xf32> to vector<5000x1xf32>
    %div3A_36 = arith.constant 1.280000e+02 : f32
    %div3A_37 = vector.broadcast %div3A_36 : f32 to vector<5000x1xf32>
    %div3A_38 = arith.divf %broadcast_in_dim3A_35, %div3A_37 : vector<5000x1xf32>
    %sub3A_39 = vector.broadcast %div3A_29 : vector<5000x1xf32> to vector<5000x128xf32>
    %sub3A_40 = arith.subf %add3A_26, %sub3A_39 : vector<5000x128xf32>
    %add3A_41 = arith.constant 9.99999974E-6 : f32
    %add3A_42 = vector.broadcast %add3A_41 : f32 to vector<5000x1xf32>
    %add3A_43 = arith.addf %div3A_38, %add3A_42 : vector<5000x1xf32>
    %rsqrt3A = math.rsqrt %add3A_43 : vector<5000x1xf32>
    %mul3A_44 = vector.broadcast %rsqrt3A : vector<5000x1xf32> to vector<5000x128xf32>
    %mul3A_45 = arith.mulf %sub3A_40, %mul3A_44 : vector<5000x128xf32>
    %get3A_46 = arith.constant 0 : index
    %get3A_47 = arith.constant 0 : index
    %get3A_48 = vector.load %arg6[%get3A_46, %get3A_47] : memref<1x128xf32, #tpu.memory_space<vmem>>, vector<1x128xf32>
    %mul3A_49 = vector.broadcast %get3A_48 : vector<1x128xf32> to vector<5000x128xf32>
    %mul3A_50 = arith.mulf %mul3A_45, %mul3A_49 : vector<5000x128xf32>
    %get3A_51 = arith.constant 0 : index
    %get3A_52 = arith.constant 0 : index
    %get3A_53 = vector.load %arg7[%get3A_51, %get3A_52] : memref<1x128xf32, #tpu.memory_space<vmem>>, vector<1x128xf32>
    %add3A_54 = vector.broadcast %get3A_53 : vector<1x128xf32> to vector<5000x128xf32>
    %add3A_55 = arith.addf %mul3A_50, %add3A_54 : vector<5000x128xf32>
    %swap3A = arith.constant 0 : index
    %swap3A_56 = arith.constant 0 : index
    %swap3A_57 = vector.load %arg10[%swap3A, %swap3A_56] : memref<5000x128xf32, #tpu.memory_space<vmem>>, vector<5000x128xf32>
    tpu.vector_store %arg10[%swap3A, %swap3A_56], %add3A_55 {strides = array<i32>} : memref<5000x128xf32, #tpu.memory_space<vmem>>, vector<5000x128xf32>,
    return
  }
  func.func @transform_0(%arg0: i32) -> (i32, i32, i32) {
    %c0_i32 = arith.constant 0 : i32
    %c0_i32_0 = arith.constant 0 : i32
    %c0_i32_1 = arith.constant 0 : i32
    return %c0_i32, %arg0, %c0_i32_0 : i32, i32, i32
  }
  func.func @transform_1(%arg0: i32) -> (i32, i32) {
    %c0_i32 = arith.constant 0 : i32
    %c0_i32_0 = arith.constant 0 : i32
    return %arg0, %c0_i32 : i32, i32
  }
  func.func @transform_2(%arg0: i32) -> (i32, i32) {
    %c0_i32 = arith.constant 0 : i32
    %c0_i32_0 = arith.constant 0 : i32
    %c0_i32_1 = arith.constant 0 : i32
    return %c0_i32, %c0_i32_0 : i32, i32
  }
  func.func @transform_3(%arg0: i32) -> (i32, i32) {
    %c0_i32 = arith.constant 0 : i32
    %c0_i32_0 = arith.constant 0 : i32
    %c0_i32_1 = arith.constant 0 : i32
    return %c0_i32, %c0_i32_0 : i32, i32
  }
  func.func @transform_4(%arg0: i32) -> (i32, i32) {
    %c0_i32 = arith.constant 0 : i32
    %c0_i32_0 = arith.constant 0 : i32
    %c0_i32_1 = arith.constant 0 : i32
    return %c0_i32, %c0_i32_0 : i32, i32
  }
  func.func @transform_5(%arg0: i32) -> (i32, i32) {
    %c0_i32 = arith.constant 0 : i32
    %c0_i32_0 = arith.constant 0 : i32
    %c0_i32_1 = arith.constant 0 : i32
    return %c0_i32, %c0_i32_0 : i32, i32
  }
  func.func @transform_6(%arg0: i32) -> (i32, i32) {
    %c0_i32 = arith.constant 0 : i32
    %c0_i32_0 = arith.constant 0 : i32
    %c0_i32_1 = arith.constant 0 : i32
    return %c0_i32, %c0_i32_0 : i32, i32
  }
  func.func @transform_7(%arg0: i32) -> (i32, i32) {
    %c0_i32 = arith.constant 0 : i32
    %c0_i32_0 = arith.constant 0 : i32
    %c0_i32_1 = arith.constant 0 : i32
    return %c0_i32, %c0_i32_0 : i32, i32
  }
  func.func @transform_8(%arg0: i32) -> (i32, i32) {
    %c0_i32 = arith.constant 0 : i32
    %c0_i32_0 = arith.constant 0 : i32
    %c0_i32_1 = arith.constant 0 : i32
    return %c0_i32, %c0_i32_0 : i32, i32
  }
  func.func @transform_9(%arg0: i32) -> (i32, i32) {
    %c0_i32 = arith.constant 0 : i32
    %c0_i32_0 = arith.constant 0 : i32
    return %arg0, %c0_i32 : i32, i32
  }
}

module attributes {stable_mosaic.version = 14 : i64} {
  func.func @_dense_body(%arg0: i32, %arg1: memref<2x5000x128xf32, #tpu.memory_space<vmem>>, %arg2: memref<5000x128xf32, #tpu.memory_space<vmem>>, %arg3: memref<128x128xf32, #tpu.memory_space<vmem>>, %arg4: memref<1x128xf32, #tpu.memory_space<vmem>>, %arg5: memref<128x128xf32, #tpu.memory_space<vmem>>, %arg6: memref<1x128xf32, #tpu.memory_space<vmem>>, %arg7: memref<1x128xf32, #tpu.memory_space<vmem>>, %arg8: memref<128x128xf32, #tpu.memory_space<vmem>>, %arg9: memref<1x128xf32, #tpu.memory_space<vmem>>, %arg10: memref<5000x128xf32, #tpu.memory_space<vmem>>) attributes {dimension_semantics = [#tpu.dimension_semantics<arbitrary>], iteration_bounds = array<i64: 2>, scalar_prefetch = 0 : i64, scratch_operands = 0 : i64, tpu.core_type = #tpu.core_type<tc>, window_params = [{transform_indices = @transform_0, window_bounds = array<i64: 2, 5000, 128>}, {transform_indices = @transform_1, window_bounds = array<i64: 5000, 128>}, {pipeline_mode = #tpu.pipeline_mode<synchronous>, transform_indices = @transform_2, window_bounds = array<i64: 128, 128>}, {pipeline_mode = #tpu.pipeline_mode<synchronous>, transform_indices = @transform_3, window_bounds = array<i64: 1, 128>}, {pipeline_mode = #tpu.pipeline_mode<synchronous>, transform_indices = @transform_4, window_bounds = array<i64: 128, 128>}, {pipeline_mode = #tpu.pipeline_mode<synchronous>, transform_indices = @transform_5, window_bounds = array<i64: 1, 128>}, {pipeline_mode = #tpu.pipeline_mode<synchronous>, transform_indices = @transform_6, window_bounds = array<i64: 1, 128>}, {pipeline_mode = #tpu.pipeline_mode<synchronous>, transform_indices = @transform_7, window_bounds = array<i64: 128, 128>}, {pipeline_mode = #tpu.pipeline_mode<synchronous>, transform_indices = @transform_8, window_bounds = array<i64: 1, 128>}, {transform_indices = @transform_9, window_bounds = array<i64: 5000, 128>}]} {
    %get3A = arith.constant 0 : index
    %get3A_0 = arith.constant 0 : index
    %get3A_1 = arith.constant 0 : index
    %get3A_2 = vector.load %arg1[%get3A, %get3A_0, %get3A_1] : memref<2x5000x128xf32, #tpu.memory_space<vmem>>, vector<1x5000x128xf32>
    %get3A_3 = vector.shape_cast %get3A_2 : vector<1x5000x128xf32> to vector<5000x128xf32>
    %get3A_4 = arith.constant 1 : index
    %get3A_5 = arith.constant 0 : index
    %get3A_6 = arith.constant 0 : index
    %get3A_7 = vector.load %arg1[%get3A_4, %get3A_5, %get3A_6] : memref<2x5000x128xf32, #tpu.memory_space<vmem>>, vector<1x5000x128xf32>
    %get3A_8 = vector.shape_cast %get3A_7 : vector<1x5000x128xf32> to vector<5000x128xf32>
    %add3A = arith.addf %get3A_3, %get3A_8 : vector<5000x128xf32>
    %get3A_9 = arith.constant 0 : index
    %get3A_10 = arith.constant 0 : index
    %get3A_11 = vector.load %arg3[%get3A_9, %get3A_10] : memref<128x128xf32, #tpu.memory_space<vmem>>, vector<128x128xf32>
    %dot_general3A = arith.constant dense<0.000000e+00> : vector<5000x128xf32>
    %dot_general3A_12 = tpu.matmul %add3A, %get3A_11, %dot_general3A {dimension_numbers = #tpu.dot_dimension_numbers<[1], [0], [0], [1], [0, 0, 1, 1], [], []>, transpose_lhs_hint = false} : vector<5000x128xf32>, vector<128x128xf32>, vector<5000x128xf32> -> vector<5000x128xf32>
    %get3A_13 = arith.constant 0 : index
    %get3A_14 = arith.constant 0 : index
    %get3A_15 = vector.load %arg2[%get3A_13, %get3A_14] : memref<5000x128xf32, #tpu.memory_space<vmem>>, vector<5000x128xf32>
    %get3A_16 = arith.constant 0 : index
    %get3A_17 = arith.constant 0 : index
    %get3A_18 = vector.load %arg5[%get3A_16, %get3A_17] : memref<128x128xf32, #tpu.memory_space<vmem>>, vector<128x128xf32>
    %dot_general3A_19 = arith.constant dense<0.000000e+00> : vector<5000x128xf32>
    %dot_general3A_20 = tpu.matmul %get3A_15, %get3A_18, %dot_general3A_19 {dimension_numbers = #tpu.dot_dimension_numbers<[1], [0], [0], [1], [0, 0, 1, 1], [], []>, transpose_lhs_hint = false} : vector<5000x128xf32>, vector<128x128xf32>, vector<5000x128xf32> -> vector<5000x128xf32>
    %add3A_21 = arith.addf %dot_general3A_12, %dot_general3A_20 : vector<5000x128xf32>
    %get3A_22 = arith.constant 0 : index
    %get3A_23 = arith.constant 0 : index
    %get3A_24 = vector.load %arg4[%get3A_22, %get3A_23] : memref<1x128xf32, #tpu.memory_space<vmem>>, vector<1x128xf32>
    %add3A_25 = vector.broadcast %get3A_24 : vector<1x128xf32> to vector<5000x128xf32>
    %add3A_26 = arith.addf %add3A_21, %add3A_25 : vector<5000x128xf32>
    %reduce_sum3A = arith.constant dense<0.000000e+00> : vector<5000xf32>
    %reduce_sum3A_27 = vector.multi_reduction <add>, %add3A_26, %reduce_sum3A [1] : vector<5000x128xf32> to vector<5000xf32>
    %broadcast_in_dim3A = vector.shape_cast %reduce_sum3A_27 : vector<5000xf32> to vector<5000x1xf32>
    %div3A = arith.constant 1.280000e+02 : f32
    %div3A_28 = vector.broadcast %div3A : f32 to vector<5000x1xf32>
    %div3A_29 = arith.divf %broadcast_in_dim3A, %div3A_28 : vector<5000x1xf32>
    %sub3A = vector.broadcast %div3A_29 : vector<5000x1xf32> to vector<5000x128xf32>
    %sub3A_30 = arith.subf %add3A_26, %sub3A : vector<5000x128xf32>
    %sub3A_31 = vector.broadcast %div3A_29 : vector<5000x1xf32> to vector<5000x128xf32>
    %sub3A_32 = arith.subf %add3A_26, %sub3A_31 : vector<5000x128xf32>
    %mul3A = arith.mulf %sub3A_30, %sub3A_32 : vector<5000x128xf32>
    %reduce_sum3A_33 = arith.constant dense<0.000000e+00> : vector<5000xf32>
    %reduce_sum3A_34 = vector.multi_reduction <add>, %mul3A, %reduce_sum3A_33 [1] : vector<5000x128xf32> to vector<5000xf32>
    %broadcast_in_dim3A_35 = vector.shape_cast %reduce_sum3A_34 : vector<5000xf32> to vector<5000x1xf32>
    %div3A_36 = arith.constant 1.280000e+02 : f32
    %div3A_37 = vector.broadcast %div3A_36 : f32 to vector<5000x1xf32>
    %div3A_38 = arith.divf %broadcast_in_dim3A_35, %div3A_37 : vector<5000x1xf32>
    %sub3A_39 = vector.broadcast %div3A_29 : vector<5000x1xf32> to vector<5000x128xf32>
    %sub3A_40 = arith.subf %add3A_26, %sub3A_39 : vector<5000x128xf32>
    %add3A_41 = arith.constant 9.99999974E-6 : f32
    %add3A_42 = vector.broadcast %add3A_41 : f32 to vector<5000x1xf32>
    %add3A_43 = arith.addf %div3A_38, %add3A_42 : vector<5000x1xf32>
    %rsqrt3A = math.rsqrt %add3A_43 : vector<5000x1xf32>
    %mul3A_44 = vector.broadcast %rsqrt3A : vector<5000x1xf32> to vector<5000x128xf32>
    %mul3A_45 = arith.mulf %sub3A_40, %mul3A_44 : vector<5000x128xf32>
    %get3A_46 = arith.constant 0 : index
    %get3A_47 = arith.constant 0 : index
    %get3A_48 = vector.load %arg6[%get3A_46, %get3A_47] : memref<1x128xf32, #tpu.memory_space<vmem>>, vector<1x128xf32>
    %mul3A_49 = vector.broadcast %get3A_48 : vector<1x128xf32> to vector<5000x128xf32>
    %mul3A_50 = arith.mulf %mul3A_45, %mul3A_49 : vector<5000x128xf32>
    %get3A_51 = arith.constant 0 : index
    %get3A_52 = arith.constant 0 : index
    %get3A_53 = vector.load %arg7[%get3A_51, %get3A_52] : memref<1x128xf32, #tpu.memory_space<vmem>>, vector<1x128xf32>
    %add3A_54 = vector.broadcast %get3A_53 : vector<1x128xf32> to vector<5000x128xf32>
    %add3A_55 = arith.addf %mul3A_50, %add3A_54 : vector<5000x128xf32>
    %get3A_56 = arith.constant 0 : index
    %get3A_57 = arith.constant 0 : index
    %get3A_58 = vector.load %arg8[%get3A_56, %get3A_57] : memref<128x128xf32, #tpu.memory_space<vmem>>, vector<128x128xf32>
    %dot_general3A_59 = arith.constant dense<0.000000e+00> : vector<5000x128xf32>
    %dot_general3A_60 = tpu.matmul %add3A_55, %get3A_58, %dot_general3A_59 {dimension_numbers = #tpu.dot_dimension_numbers<[1], [0], [0], [1], [0, 0, 1, 1], [], []>, transpose_lhs_hint = false} : vector<5000x128xf32>, vector<128x128xf32>, vector<5000x128xf32> -> vector<5000x128xf32>
    %get3A_61 = arith.constant 0 : index
    %get3A_62 = arith.constant 0 : index
    %get3A_63 = vector.load %arg9[%get3A_61, %get3A_62] : memref<1x128xf32, #tpu.memory_space<vmem>>, vector<1x128xf32>
    %add3A_64 = vector.broadcast %get3A_63 : vector<1x128xf32> to vector<5000x128xf32>
    %add3A_65 = arith.addf %dot_general3A_60, %add3A_64 : vector<5000x128xf32>
    %swap3A = arith.constant 0 : index
    %swap3A_66 = arith.constant 0 : index
    %swap3A_67 = vector.load %arg10[%swap3A, %swap3A_66] : memref<5000x128xf32, #tpu.memory_space<vmem>>, vector<5000x128xf32>
    tpu.vector_store %arg10[%swap3A, %swap3A_66], %add3A_65 {strides = array<i32>} : memref<5000x128xf32, #tpu.memory_space<vmem>>, vector<5000x128xf32>,
    return
  }
  func.func @transform_0(%arg0: i32) -> (i32, i32, i32) {
    %c0_i32 = arith.constant 0 : i32
    %c0_i32_0 = arith.constant 0 : i32
    %c0_i32_1 = arith.constant 0 : i32
    return %c0_i32, %arg0, %c0_i32_0 : i32, i32, i32
  }
  func.func @transform_1(%arg0: i32) -> (i32, i32) {
    %c0_i32 = arith.constant 0 : i32
    %c0_i32_0 = arith.constant 0 : i32
    return %arg0, %c0_i32 : i32, i32
  }
  func.func @transform_2(%arg0: i32) -> (i32, i32) {
    %c0_i32 = arith.constant 0 : i32
    %c0_i32_0 = arith.constant 0 : i32
    %c0_i32_1 = arith.constant 0 : i32
    return %c0_i32, %c0_i32_0 : i32, i32
  }
  func.func @transform_3(%arg0: i32) -> (i32, i32) {
    %c0_i32 = arith.constant 0 : i32
    %c0_i32_0 = arith.constant 0 : i32
    %c0_i32_1 = arith.constant 0 : i32
    return %c0_i32, %c0_i32_0 : i32, i32
  }
  func.func @transform_4(%arg0: i32) -> (i32, i32) {
    %c0_i32 = arith.constant 0 : i32
    %c0_i32_0 = arith.constant 0 : i32
    %c0_i32_1 = arith.constant 0 : i32
    return %c0_i32, %c0_i32_0 : i32, i32
  }
  func.func @transform_5(%arg0: i32) -> (i32, i32) {
    %c0_i32 = arith.constant 0 : i32
    %c0_i32_0 = arith.constant 0 : i32
    %c0_i32_1 = arith.constant 0 : i32
    return %c0_i32, %c0_i32_0 : i32, i32
  }
  func.func @transform_6(%arg0: i32) -> (i32, i32) {
    %c0_i32 = arith.constant 0 : i32
    %c0_i32_0 = arith.constant 0 : i32
    %c0_i32_1 = arith.constant 0 : i32
    return %c0_i32, %c0_i32_0 : i32, i32
  }
  func.func @transform_7(%arg0: i32) -> (i32, i32) {
    %c0_i32 = arith.constant 0 : i32
    %c0_i32_0 = arith.constant 0 : i32
    %c0_i32_1 = arith.constant 0 : i32
    return %c0_i32, %c0_i32_0 : i32, i32
  }
  func.func @transform_8(%arg0: i32) -> (i32, i32) {
    %c0_i32 = arith.constant 0 : i32
    %c0_i32_0 = arith.constant 0 : i32
    %c0_i32_1 = arith.constant 0 : i32
    return %c0_i32, %c0_i32_0 : i32, i32
  }
  func.func @transform_9(%arg0: i32) -> (i32, i32) {
    %c0_i32 = arith.constant 0 : i32
    %c0_i32_0 = arith.constant 0 : i32
    return %arg0, %c0_i32 : i32, i32
  }
}

</mosaic_0001>

<sc_bundles>
// kernel: kernel.11.cloned.1.call-start
scs
__scs_entry_jumppad:
0x0: {  	(pc) =	sbr.rel $0x88, $3  }
0x1: {  	(tag) =	ssettag $0x0;
	lr =	simm.s32 $0x1  }
0x2: {  	[smem:$0x3F8E] =	sst lr;
	_ =	strace $0xD0000000  }
0x3: {  	_ = 	snop  }
0x4: {  	_ = 	snop  }
0x5: {  	_ = 	snop  }
0x6: {  	_ = 	snop  }
0x7: {  	_ = 	snop  }
__scs_overlays_trampoline_lowered:
0x8: {  	[smem:$0x3F9D] =	sst s0  }
0x9: {  	[smem:$0x3F9E] =	sst s1  }
0xa: {  	[smem:$0x3F9F] =	sst s2  }
0xb: {  	[smem:$0x3FA0] =	sst s3  }
0xc: {  	[smem:$0x3FA1] =	sst s4  }
0xd: {  	[smem:$0x3FA2] =	sst s5  }
0xe: {  	[smem:$0x3FA3] =	sst s6  }
0xf: {  	[smem:$0x3FA4] =	sst s7  }
0x10: {  	[smem:$0x3FA5] =	sst s8  }
0x11: {  	[smem:$0x3FA6] =	sst s9;
	s0 =	simm.s32 @!p0 $0x0  }
0x12: {  	s1 =	sld [smem:$0x3F8C];
	s0 =	simm.s32 @p0 $0x1  }
0x13: {  	[smem:$0x3FA7] =	sst s0;
	s0 =	simm.s32 @!p1 $0x0  }
0x14: {  	s2 =	sld [smem:$0x3F8B];
	s0 =	simm.s32 @p1 $0x1  }
0x15: {  	[smem:$0x3FA8] =	sst s0;
	s0 =	simm.s32 @!p2 $0x0  }
0x16: {  	s3 =	sld [smem:$0x3FDB];
	s0 =	simm.s32 @p2 $0x1  }
0x17: {  	s4 =	simm.s32 $0x1BF5;
	[smem:$0x3FAA] =	sst s0  }
0x18: {  	s0 =	sld [smem:$0x3F8D];
	_ =	swait.ge [sflag:s4], $0x0  }
0x19: {  	s7 =	sld [smem:$0x3F8E]  }
0x1a: {  	s8 =	sadd.s32 $0xFFFFE003, lr  }
0x1b: {  	s9 =	sadd.s32 $0xFFFFFEF7, lr;
	s5 =	simm.s32 $0xFFFFFFFF;
	p2 =	slt.u32 s8, $0xFFFFF086  }
0x1c: {  	p1 =	slt.u32 s9, $0xF7A;
	s5 =	simm.s32 @!p2 $0x0  }
0x1d: {  	s5 =	simm.s32 @p1 $0x1;
	p0 =	seq.s32 s7, s2  }
0x1e: {  	s7 =	smul.u32 @!p0 $0xF7A, s2;
	p2 =	seq.s32 @!p0 s5, $0x0  }
0x1f: {  	s9 =	smul.u32 $0xF7A, s1;
	s8 =	simm.s32 @!p0 $0x1BF5;
	p2 =	por !p2, p0  }
0x20: {  	[sflag:s8] =	ssyncset.s32 @!p0 $0xFFFFF086;
	s6 =	sadd.s32 @!p0 s3, s7;
	s7 =	simm.s32 @!p0 $0x108  }
0x21: {  	s3 =	sadd.s32 s3, s9;
	s6 =	sadd.s32 @!p0 $0x88, s6;
	s7 =	simm.s32 @p2 $0x1082  }
0x22: {  	[simem:s7], [sflag:s8] =	dma.local @!p0 [hbm:s6], $0xF7A  }
0x23: {  	s9 =	sor.u32 $0xD0000000, s2;
	s6 =	simm.s32 $0x108;
	_ =	swait.ge @!p0 [sflag:s8], $0x0  }
0x24: {  	s3 =	sadd.s32 $0x88, s3;
	s6 =	simm.s32 @!p1 $0x1082;
	[sflag:s4] =	ssyncset.s32 $0xFFFFF086  }
0x25: {  	[simem:s6], [sflag:s4] =	dma.local [hbm:s3], $0xF7A  }
0x26: {  	[smem:$0x3F8E] =	sst s1;
	(tag) =	ssettag s2;
	_ =	strace s9  }
0x27: {  	s1 =	sld [smem:$0x3F9E]  }
0x28: {  	s2 =	sld [smem:$0x3F9F]  }
0x29: {  	s4 =	sld [smem:$0x3FA1]  }
0x2a: {  	p0 =	seq.s32 s5, $0x0;
	s5 =	sld [smem:$0x3FA2]  }
0x2b: {  	s6 =	sld [smem:$0x3FA3]  }
0x2c: {  	s7 =	sld [smem:$0x3FA4]  }
0x2d: {  	s3 =	simm.s32 $0x108;
	s8 =	sld [smem:$0x3FA5]  }
0x2e: {  	s3 =	simm.s32 @!p0 $0x1082;
	s9 =	sld [smem:$0x3FA6]  }
0x2f: {  	lr =	sadd.s32 s0, s3;
	s0 =	sld [smem:$0x3F9D]  }
0x30: {  	s3 =	sld [smem:$0x3FA0]  }
0x31: {  	[smem:$0x3FA9] =	sst s10  }
0x32: {  	s10 =	sld [smem:$0x3FA7];
	_ =	sdelay $0x3  }
0x33: {  	p0 =	seq.s32 s10, $0x1;
	s10 =	sld [smem:$0x3FA9];
	_ =	sdelay $0x3  }
0x34: {  	[smem:$0x3FA9] =	sst s10  }
0x35: {  	s10 =	sld [smem:$0x3FA8];
	_ =	sdelay $0x3  }
0x36: {  	p1 =	seq.s32 s10, $0x1;
	s10 =	sld [smem:$0x3FA9];
	_ =	sdelay $0x3  }
0x37: {  	[smem:$0x3FA9] =	sst s10  }
0x38: {  	s10 =	sld [smem:$0x3FAA]  }
0x39: {  	_ = 	snop;
	(pc) =	sbr.ind lr, $3  }
0x3a: {  	_ = 	snop  }
0x3b: {  	_ = 	snop  }
0x3c: {  	p2 =	seq.s32 s10, $0x1;
	s10 =	sld [smem:$0x3FA9]  }
0x3d: {  	_ =	shalt  }
0x3e: {  	_ =	shalt  }
0x3f: {  	_ =	shalt  }
0x40: {  	_ =	shalt  }
0x41: {  	_ =	shalt  }
0x42: {  	_ =	shalt  }
0x43: {  	_ =	shalt  }
0x44: {  	_ =	shalt  }
0x45: {  	_ =	shalt  }
0x46: {  	_ =	shalt  }
0x47: {  	_ =	shalt  }
0x48: {  	_ =	shalt  }
0x49: {  	_ =	shalt  }
0x4a: {  	_ =	shalt  }
0x4b: {  	_ =	shalt  }
0x4c: {  	_ =	shalt  }
0x4d: {  	_ =	shalt  }
0x4e: {  	_ =	shalt  }
0x4f: {  	_ =	shalt  }
0x50: {  	_ =	shalt  }
0x51: {  	_ =	shalt  }
0x52: {  	_ =	shalt  }
0x53: {  	_ =	shalt  }
0x54: {  	_ =	shalt  }
0x55: {  	_ =	shalt  }
0x56: {  	_ =	shalt  }
0x57: {  	_ =	shalt  }
0x58: {  	_ =	shalt  }
0x59: {  	_ =	shalt  }
0x5a: {  	_ =	shalt  }
0x5b: {  	_ =	shalt  }
0x5c: {  	_ =	shalt  }
0x5d: {  	_ =	shalt  }
0x5e: {  	_ =	shalt  }
0x5f: {  	_ =	shalt  }
0x60: {  	_ =	shalt  }
0x61: {  	_ =	shalt  }
0x62: {  	_ =	shalt  }
0x63: {  	_ =	shalt  }
0x64: {  	_ =	shalt  }
0x65: {  	_ =	shalt  }
0x66: {  	_ =	shalt  }
0x67: {  	_ =	shalt  }
0x68: {  	_ =	shalt  }
0x69: {  	_ =	shalt  }
0x6a: {  	_ =	shalt  }
0x6b: {  	_ =	shalt  }
0x6c: {  	_ =	shalt  }
0x6d: {  	_ =	shalt  }
0x6e: {  	_ =	shalt  }
0x6f: {  	_ =	shalt  }
0x70: {  	_ =	shalt  }
0x71: {  	_ =	shalt  }
0x72: {  	_ =	shalt  }
0x73: {  	_ =	shalt  }
0x74: {  	_ =	shalt  }
0x75: {  	_ =	shalt  }
0x76: {  	_ =	shalt  }
0x77: {  	_ =	shalt  }
0x78: {  	_ =	shalt  }
0x79: {  	_ =	shalt  }
0x7a: {  	_ =	shalt  }
0x7b: {  	_ =	shalt  }
0x7c: {  	_ =	shalt  }
0x7d: {  	_ =	shalt  }
0x7e: {  	_ =	shalt  }
0x7f: {  	_ =	shalt  }
0x80: {  	_ =	shalt  }
0x81: {  	_ =	shalt  }
0x82: {  	_ =	shalt  }
0x83: {  	_ =	shalt  }
0x84: {  	_ =	shalt  }
0x85: {  	_ =	shalt  }
0x86: {  	_ =	shalt  }
0x87: {  	_ =	shalt  }
.Lfunc_end0:
.L_simem_size_0:
called_computation.1_lowered:
.L_overlay_start_0:
0x88: {  	s2 =	sld [smem:$0x3FD9]  }
0x89: {  	s3 =	sld [smem:$0x3FFE];
	_ =	sdelay $0x1  }
0x8a: {  	s1 =	srdreg.scid  }
0x8b: {  	s0 =	sand.u32 $0x1, s1  }
0x8c: {  	s17 =	sshll.u32 s0, $0xA;
	s2 =	sadd.s32 s3, s2  }
0x8d: {  	s2 =	sadd.s32 s2, s17  }
0x8e: {  	[smem:$0x3FB5] =	sst s2  }
0x8f: {  	_ = 	snop  }
0x90: {  	s2 =	sld [smem:$0x3FD0];
	(tm) =	ssettm $0x1  }
0x91: {  	s18 =	sld [smem:$0x3FFB];
	_ =	sdelay $0x3  }
0x92: {  	_ =	strace s18  }
0x93: {  	s3 =	sld [smem:$0x3FFC];
	_ =	sdelay $0x3  }
0x94: {  	_ =	strace s3  }
0x95: {  	s3 =	sld [smem:$0x3FFD];
	_ =	sdelay $0x3  }
0x96: {  	_ =	strace s3  }
0x97: {  	_ =	strace $0x8FFFFFFF  }
0x98: {  	s19 =	sld [smem:$0x3FDB];
	_ =	sdelay $0x1  }
0x99: {  	s4 =	simm.s32 $_scs_section_size  }
0x9a: {  	s5 =	simm.s32 $_size__tile_overlayer_lowered;
	s6 =	simm.s32 $_tile_overlayer_lowered  }
0x9b: {  	s22 =	simm.s32 $0x1BFF;
	s21 =	sshll.u32 s6, $0x1;
	s3 =	sadd.s32 s4, s19  }
0x9c: {  	s7 =	simm.s32 $0x0;
	s20 =	sshll.u32 s5, $0x1;
	s5 =	sadd.s32 s21, s3  }
0x9d: {  	[timem:s7], [sflag:s22] =	dma.local [hbm:s5], s20  }
0x9e: {  	_ =	swait.ge [sflag:s22], s20  }
0x9f: {  	s4 =	ssub.s32 $0x0, s20;
	[sflag:s22] =	ssyncset.done $0x0  }
0xa0: {  	[sflag:s22] =	ssyncadd.s32 s4;
	_ =	sdelay $0x1  }
0xa1: {  	s23 =	simm.s32 $0x1B8B  }
0xa2: {  	_ =	swait.ge [sflag:s23], $0x1  }
0xa3: {  	[sflag:s23] =	ssyncset.done $0x0  }
0xa4: {  	s25 =	simm.s32 $0x1B8E;
	s24 =	sld [smem:$0x3FFE];
	[sflag:s23] =	ssyncadd.s32 $0xFFFFFFFF  }
0xa5: {  	s26 =	simm.s32 $execute0_lowered;
	[smem:$0x3FD2] =	sst s25  }
0xa6: {  	s5 =	sshll.u32 s26, $0x1;
	_ =	strace $0x80000049;
	[dreg:$0x1] =	wrdreg $0xFFFFFFFF  }
0xa7: {  	s28 =	simm.s32 $_size_execute0_lowered;
	s3 =	sadd.s32 s3, s5;
	[dreg:$0x0] =	wrdreg $0x0  }
0xa8: {  	s5 =	sshll.u32 s28, $0x1;
	[dreg:$0x2] =	wrdreg s3  }
0xa9: {  	[dreg:$0x3] =	wrdreg s5  }
0xaa: {  	[dreg:$0x4] =	wrdreg $0xC0  }
0xab: {  	_ =	task [dreg:s7], $0x5FFFF  }
0xac: {  	[dreg:$0x1] =	wrdreg $0xFFFFFFFF  }
0xad: {  	[dreg:$0x0] =	wrdreg $0x60  }
0xae: {  	[dreg:$0x2] =	wrdreg s2  }
0xaf: {  	[dreg:$0x3] =	wrdreg s24  }
0xb0: {  	[dreg:$0x4] =	wrdreg $0x0  }
0xb1: {  	[dreg:$0x5] =	wrdreg $0x9  }
0xb2: {  	_ =	task.clear_ibuf [dreg:s7], $0x6FFFF;
	_ =	strace $0x90000049  }
0xb3: {  	s29 =	simm.s32 $0x9;
	_ =	strace $0x8000004B  }
0xb4: {  	_ =	swait.ge [sflag:s29], $0x1  }
0xb5: {  	[sflag:s29] =	ssyncadd.s32 $0xFFFFFFFF  }
0xb6: {  	_ =	strace $0x9000004B  }
0xb7: {  	_ =	sfence  }
0xb8: {  	s30 =	sld [smem:$0x0];
	_ =	sdelay $0x2  }
0xb9: {  	s31 =	sshll.u32 s1, $0xD;
	s1 =	sshrl.u32 s1, $0x2  }
0xba: {  	s3 =	sand.u32 $0x4000, s31;
	s1 =	sadd.s32 s1, s30  }
0xbb: {  	s0 =	sor.u32 s3, s0;
	s1 =	sshll.u32 s1, $0x11  }
0xbc: {  	s0 =	sor.u32 s1, s0  }
0xbd: {  	s0 =	sadd.s32 $0x8F2B, s0  }
0xbe: {  	[sflag:s0] =	ssyncadd.remote.s32 $0x1  }
0xbf: {  	_ =	sfence.sel $0xFFFF  }
0xc0: {  	[dreg:$0x0] =	wrdreg $0xFFFFFFFF;
	(pc) =	sbr.abs _section_cstart, $3  }
0xc1: {  	[dreg:$0x1] =	wrdreg $0xFFFFFFFF  }
0xc2: {  	_ =	task.clear_ibuf [dreg:s7], $0x2FFFF;
	_ =	strace $0x9FFFFFFF  }
0xc3: {  	(tm) =	ssettm $0x7FFFFFFF  }
tec
execute0_lowered:
.L_overlay_start_1:
0x0: {  	(tag) =	ssettag $0x1  }
0x1: {  	s1 =	rddreg [dreg:$0x0]  }
0x2: {  	s0 =	rddreg [dreg:$0x1]  }
0x3: {  	s2 =	rddreg [dreg:$0x2];
	s4 =	simm.s32 $0x0;
	s3 =	srdreg.scid  }
0x4: {  	s14 =	stileid.u32;
	s19 =	simm.s32 $0x14000;
	s28 =	simm.s32 $0x1  }
0x5: {  	s29 =	simm.s32 $0x3;
	s30 =	simm.s32 $0x0;
	s8 =	smul.u32 $0x14000, s14  }
0x6: {  	[smem:$0x7FF] =	sst s4;
	s3 =	sand.u32 $0x1, s3;
	s12 =	smul.u32 $0x50000, s14  }
0x7: {  	s5 =	sadd.s32 $0xDA00, s0;
	s6 =	sadd.s32 $0x3C00, s0;
	s13 =	smul.u32 $0x2710, s14  }
0x8: {  	s10 =	sadd.s32 $0x17800, s0;
	s26 =	sshll.u32 s14, $0x6;
	s7 =	smul.u32 $0x140000, s3  }
0x9: {  	_ =	strace $0x8000004A;
	s9 =	sshll.u32 s3, $0x4;
	[dreg:$0x4] =	wrdreg s10  }
0xa: {  	s21 =	ssub.s32 $0x2, s3;
	s3 =	smul.u32 $0x27100, s3;
	s20 =	sor.u32 s14, s9  }
0xb: {  	s22 =	sshrl.u32 s21, $0x1;
	s12 =	sshrl.u32 s12, $0x2;
	s7 =	sadd.s32 s8, s7  }
0xc: {  	s8 =	smul.u32 $0x2710, s20;
	s3 =	sadd.s32 s13, s3;
	s12 =	sadd.s32 s12, s2  }
0xd: {  	s13 =	sor.u32 $0x1C04, s26;
	s20 =	simm.s32 $0x14100;
	s26 =	simm.s32 $0x14400  }
0xe: {  	s7 =	sshrl.u32 s7, $0x3;
	s15 =	sadd.s32 $0x258, s3;
	s18 =	sadd.s32 $0x190, s3  }
0xf: {  	s0 =	sadd.s32 s7, s0;
	s7 =	ssub.s32 s21, s22;
	s23 =	sadd.s32 $0xC8, s8  }
0x10: {  	s24 =	sshrl.u32 s8, $0x3;
	s31 =	sshrl.u32 s15, $0x3;
	s21 =	simm.s32 $0x14200  }
0x11: {  	s22 =	simm.s32 $0x14300;
	s11 =	sshrl.u32 s23, $0x3;
	s8 =	sadd.s32 s5, s24  }
0x12: {  	s25 =	sadd.s32 s6, s24;
	s14 =	sadd.s32 $0x1A000, s0;
	s15 =	smax.u32 s7, $0x1  }
0x13: {  	s16 =	sadd.s32 s31, s6;
	s17 =	sadd.s32 s31, s5;
	[dreg:$0x5] =	wrdreg s8  }
0x14: {  	s23 =	simm.s32 $0x4;
	s24 =	simm.s32 $0x2;
	[dreg:$0x6] =	wrdreg s25  }
0x15: {  	s10 =	sadd.s32 s5, s11;
	s11 =	sadd.s32 s6, s11;
	s25 =	simm.s32 $0xC8  }
.LBB2_1:
0x16: {  	s0 =	rddreg [dreg:$0x5]  }
0x17: {  	[tilespmem:s19], [sflag:$0x2] =	stream.linear.gather [hbm4b:s0+s4], $0xC8, $0x38;
	[tilespmem:$0x1A800] =	vst v63  }
0x18: {  	s3 =	rddreg [dreg:$0x6]  }
0x19: {  	[tilespmem:s20], [sflag:$0x2] =	stream.linear.gather [hbm4b:s3+s4], $0xC8, $0x38;
	[tilespmem:$0x1A800] =	vst v63  }
0x1a: {  	_ = 	snop  }
0x1b: {  	[tilespmem:s21], [sflag:$0x3] =	stream.linear.gather [hbm4b:s10+s4], $0xC8, $0x38;
	[tilespmem:$0x1A800] =	vst v63  }
0x1c: {  	s31 =	sshrl.u32 s12, $0x3;
	s7 =	rddreg [dreg:$0x4]  }
0x1d: {  	[tilespmem:s22], [sflag:$0x3] =	stream.linear.gather [hbm4b:s11+s4], $0xC8, $0x38;
	[tilespmem:$0x1A800] =	vst v63  }
0x1e: {  	[spmem:s31], [sflag:s13] =	dma.local [hbm:s7], $0x2800  }
0x1f: {  	_ =	swait.ge [sflag:s23], $0x2800  }
0x20: {  	[sflag:s23] =	ssyncset.done $0x0  }
0x21: {  	[sflag:s23] =	ssyncadd.s32 $0xFFFFD800  }
0x22: {  	[bflag:$0x0] =	sbarrier.arrive $0xFFFF  }
0x23: {  	_ =	swait.ge [sflag:s24], $0xC8  }
0x24: {  	[sflag:s24] =	ssyncset.done $0x0  }
0x25: {  	[sflag:s24] =	ssyncadd.s32 $0xFFFFFF38  }
0x26: {  	_ =	swait.ge [sflag:s24], $0xC8  }
0x27: {  	[sflag:s24] =	ssyncset.done $0x0  }
0x28: {  	[sflag:s24] =	ssyncadd.s32 $0xFFFFFF38  }
0x29: {  	[tilespmem:s26], [sflag:$0x1] =	stream.indirect.gather [hbm4b:s1+s25], $0x80, s19, s25, $0xb8;
	[tilespmem:$0x1A800] =	vst v63  }
0x2a: {  	_ =	swait.ge [sflag:s28], $0x6400  }
0x2b: {  	[sflag:s28] =	ssyncset.done $0x0  }
0x2c: {  	[sflag:s28] =	ssyncadd.s32 $0xFFFF9C00  }
0x2d: {  	[spmem:s2] =	stream.indirect.scatter.add.f32 [tilespmem:s26], [sflag:$0x4], $0x80, s20, s25, $0xb8;
	[tilespmem:$0x1A800] =	vst v63  }
0x2e: {  	_ =	swait.ge [sflag:s23], $0x6400  }
0x2f: {  	s8 =	sshrl.u32 s18, $0x3;
	[sflag:s23] =	ssyncset.done $0x0  }
0x30: {  	s3 =	sadd.s32 s5, s8;
	[sflag:s23] =	ssyncadd.s32 $0xFFFF9C00  }
0x31: {  	[tilespmem:s19], [sflag:$0x2] =	stream.linear.gather [hbm4b:s3+s4], $0xC8, $0x38;
	[tilespmem:$0x1A800] =	vst v63  }
0x32: {  	s0 =	sadd.s32 s6, s8  }
0x33: {  	[tilespmem:s20], [sflag:$0x2] =	stream.linear.gather [hbm4b:s0+s4], $0xC8, $0x38;
	[tilespmem:$0x1A800] =	vst v63  }
0x34: {  	_ =	swait.ge [sflag:s29], $0xC8  }
0x35: {  	[sflag:s29] =	ssyncset.done $0x0  }
0x36: {  	[sflag:s29] =	ssyncadd.s32 $0xFFFFFF38  }
0x37: {  	_ =	swait.ge [sflag:s29], $0xC8  }
0x38: {  	[sflag:s29] =	ssyncset.done $0x0  }
0x39: {  	[sflag:s29] =	ssyncadd.s32 $0xFFFFFF38  }
0x3a: {  	[tilespmem:s26], [sflag:$0x1] =	stream.indirect.gather [hbm4b:s1+s25], $0x80, s21, s25, $0xb8;
	[tilespmem:$0x1A800] =	vst v63  }
0x3b: {  	_ =	swait.ge [sflag:s28], $0x6400  }
0x3c: {  	[sflag:s28] =	ssyncset.done $0x0  }
0x3d: {  	[sflag:s28] =	ssyncadd.s32 $0xFFFF9C00  }
0x3e: {  	[spmem:s2] =	stream.indirect.scatter.add.f32 [tilespmem:s26], [sflag:$0x4], $0x80, s22, s25, $0xb8;
	[tilespmem:$0x1A800] =	vst v63  }
0x3f: {  	_ =	swait.ge [sflag:s23], $0x6400  }
0x40: {  	s9 =	sadd.s32 $0x0, s17;
	s7 =	sadd.s32 $0x0, s16;
	[sflag:s23] =	ssyncset.done $0x0  }
0x41: {  	s3 =	sadd.s32 $0x190, s18;
	s0 =	simm.s32 $0x32;
	[sflag:s23] =	ssyncadd.s32 $0xFFFF9C00  }
0x42: {  	[tilespmem:s21], [sflag:$0x3] =	stream.linear.gather [hbm4b:s9+s4], $0xC8, $0x38;
	[tilespmem:$0x1A800] =	vst v63  }
.LBB2_2:
0x43: {  	[tilespmem:s22], [sflag:$0x3] =	stream.linear.gather [hbm4b:s7+s4], $0xC8, $0x38;
	[tilespmem:$0x1A800] =	vst v63  }
0x44: {  	s7 =	smov.u32 s0  }
0x45: {  	p0 =	sne.s32 s0, $0x47E;
	s0 =	sadd.s32 $0x32, s0;
	_ =	swait.ge [sflag:s24], $0xC8  }
0x46: {  	[sflag:s24] =	ssyncset.done $0x0  }
0x47: {  	[sflag:s24] =	ssyncadd.s32 $0xFFFFFF38  }
0x48: {  	_ =	swait.ge [sflag:s24], $0xC8  }
0x49: {  	[sflag:s24] =	ssyncset.done $0x0  }
0x4a: {  	[sflag:s24] =	ssyncadd.s32 $0xFFFFFF38  }
0x4b: {  	[tilespmem:s26], [sflag:$0x1] =	stream.indirect.gather [hbm4b:s1+s25], $0x80, s19, s25, $0xb8;
	[tilespmem:$0x1A800] =	vst v63  }
0x4c: {  	_ =	swait.ge [sflag:s28], $0x6400  }
0x4d: {  	[sflag:s28] =	ssyncset.done $0x0  }
0x4e: {  	[sflag:s28] =	ssyncadd.s32 $0xFFFF9C00  }
0x4f: {  	[spmem:s2] =	stream.indirect.scatter.add.f32 [tilespmem:s26], [sflag:$0x4], $0x80, s20, s25, $0xb8;
	[tilespmem:$0x1A800] =	vst v63  }
0x50: {  	_ =	swait.ge [sflag:s23], $0x6400  }
0x51: {  	s8 =	sshrl.u32 s3, $0x3;
	[sflag:s23] =	ssyncset.done $0x0  }
0x52: {  	s9 =	sadd.s32 s5, s8;
	[sflag:s23] =	ssyncadd.s32 $0xFFFF9C00  }
0x53: {  	[tilespmem:s19], [sflag:$0x2] =	stream.linear.gather [hbm4b:s9+s4], $0xC8, $0x38;
	[tilespmem:$0x1A800] =	vst v63  }
0x54: {  	s8 =	sadd.s32 s6, s8  }
0x55: {  	[tilespmem:s20], [sflag:$0x2] =	stream.linear.gather [hbm4b:s8+s4], $0xC8, $0x38;
	[tilespmem:$0x1A800] =	vst v63  }
0x56: {  	_ =	swait.ge [sflag:s29], $0xC8  }
0x57: {  	[sflag:s29] =	ssyncset.done $0x0  }
0x58: {  	[sflag:s29] =	ssyncadd.s32 $0xFFFFFF38  }
0x59: {  	_ =	swait.ge [sflag:s29], $0xC8  }
0x5a: {  	[sflag:s29] =	ssyncset.done $0x0  }
0x5b: {  	[sflag:s29] =	ssyncadd.s32 $0xFFFFFF38  }
0x5c: {  	[tilespmem:s26], [sflag:$0x1] =	stream.indirect.gather [hbm4b:s1+s25], $0x80, s21, s25, $0xb8;
	[tilespmem:$0x1A800] =	vst v63  }
0x5d: {  	_ =	swait.ge [sflag:s28], $0x6400  }
0x5e: {  	[sflag:s28] =	ssyncset.done $0x0  }
0x5f: {  	[sflag:s28] =	ssyncadd.s32 $0xFFFF9C00  }
0x60: {  	[spmem:s2] =	stream.indirect.scatter.add.f32 [tilespmem:s26], [sflag:$0x4], $0x80, s22, s25, $0xb8;
	[tilespmem:$0x1A800] =	vst v63  }
.Ltmp0:
0x61: {  	_ =	swait.ge [sflag:s23], $0x6400;
	(pc) =	sbr.rel @p0 .LBB2_2-.Ltmp0, $4  }
0x62: {  	[sflag:s23] =	ssyncset.done $0x0  }
0x63: {  	s8 =	sadd.s32 s7, s17;
	[sflag:s23] =	ssyncadd.s32 $0xFFFF9C00  }
0x64: {  	[tilespmem:s21], [sflag:$0x3] =	stream.linear.gather [hbm4b:s8+s4], $0xC8, $0x38;
	[tilespmem:$0x1A800] =	vst v63  }
0x65: {  	s3 =	sadd.s32 $0x190, s3;
	s7 =	sadd.s32 s7, s16  }
0x66: {  	[tilespmem:s22], [sflag:$0x3] =	stream.linear.gather [hbm4b:s7+s4], $0xC8, $0x38;
	[tilespmem:$0x1A800] =	vst v63  }
0x67: {  	_ =	swait.ge [sflag:s24], $0xC8  }
0x68: {  	[sflag:s24] =	ssyncset.done $0x0  }
0x69: {  	[sflag:s24] =	ssyncadd.s32 $0xFFFFFF38  }
0x6a: {  	_ =	swait.ge [sflag:s24], $0xC8  }
0x6b: {  	[sflag:s24] =	ssyncset.done $0x0  }
0x6c: {  	[sflag:s24] =	ssyncadd.s32 $0xFFFFFF38  }
0x6d: {  	[tilespmem:s26], [sflag:$0x1] =	stream.indirect.gather [hbm4b:s1+s25], $0x80, s19, s25, $0xb8;
	[tilespmem:$0x1A800] =	vst v63  }
0x6e: {  	_ =	swait.ge [sflag:s28], $0x6400  }
0x6f: {  	[sflag:s28] =	ssyncset.done $0x0  }
0x70: {  	[sflag:s28] =	ssyncadd.s32 $0xFFFF9C00  }
0x71: {  	[spmem:s2] =	stream.indirect.scatter.add.f32 [tilespmem:s26], [sflag:$0x4], $0x80, s20, s25, $0xb8;
	[tilespmem:$0x1A800] =	vst v63  }
0x72: {  	_ =	swait.ge [sflag:s23], $0x6400  }
0x73: {  	[sflag:s23] =	ssyncset.done $0x0  }
0x74: {  	[sflag:s23] =	ssyncadd.s32 $0xFFFF9C00  }
0x75: {  	_ =	swait.ge [sflag:s29], $0xC8  }
0x76: {  	[sflag:s29] =	ssyncset.done $0x0  }
0x77: {  	[sflag:s29] =	ssyncadd.s32 $0xFFFFFF38  }
0x78: {  	_ =	swait.ge [sflag:s29], $0xC8  }
0x79: {  	[sflag:s29] =	ssyncset.done $0x0  }
0x7a: {  	[sflag:s29] =	ssyncadd.s32 $0xFFFFFF38  }
0x7b: {  	[tilespmem:s26], [sflag:$0x1] =	stream.indirect.gather [hbm4b:s1+s25], $0x80, s21, s25, $0xb8;
	[tilespmem:$0x1A800] =	vst v63  }
0x7c: {  	_ =	swait.ge [sflag:s28], $0x6400  }
0x7d: {  	[sflag:s28] =	ssyncset.done $0x0  }
0x7e: {  	[sflag:s28] =	ssyncadd.s32 $0xFFFF9C00  }
0x7f: {  	[spmem:s2] =	stream.indirect.scatter.add.f32 [tilespmem:s26], [sflag:$0x4], $0x80, s22, s25, $0xb8;
	[tilespmem:$0x1A800] =	vst v63  }
0x80: {  	_ =	swait.ge [sflag:s23], $0x6400  }
0x81: {  	s30 =	sadd.s32 $0x1, s30;
	[sflag:s23] =	ssyncset.done $0x0  }
0x82: {  	p0 =	sne.s32 s30, s15;
	[sflag:s23] =	ssyncadd.s32 $0xFFFF9C00  }
.Ltmp1:
0x83: {  	[bflag:$0x0] =	sbarrier.arrive $0xFFFF;
	(pc) =	sbr.rel @p0 .LBB2_1-.Ltmp1, $4  }
0x84: {  	[hbm:s14], [sflag:s13] =	dma.local [spmem:s31], $0x2800  }
0x85: {  	_ =	swait.ge [sflag:s23], $0x2800  }
0x86: {  	[sflag:s23] =	ssyncset.done $0x0  }
0x87: {  	[sflag:s23] =	ssyncadd.s32 $0xFFFFD800  }
0x88: {  	_ =	sfence.sel $0x180000  }
0x89: {  	[bflag:$0x0] =	sbarrier.arrive $0xFFFF  }
0x8a: {  	_ =	strace $0x9000004A  }
0x8b: {  	s0 =	stileid.u32;
	[bflag:$0x2] =	sbarrier.arrive $0xFFFF  }
0x8c: {  	p0 =	sne.s32 s0, $0x0;
	s0 =	rddreg [dreg:$0x3]  }
0x8d: {  	s0 =	sadd.s32 @!p0 $0x100000, s0  }
0x8e: {  	[sflag:s0] =	ssyncadd.tile.s32 @!p0 $0x1;
	_ =	shalt  }
.Lfunc_end2:
_tile_overlayer_lowered:
.L_overlay_start_2:
0x8f: {  	(tag) =	ssettag $0x2  }
0x90: {  	s0 =	rddreg [dreg:$0x0];
	s2 =	stileid.u32  }
0x91: {  	s1 =	rddreg [dreg:$0x1];
	p0 =	sne.s32 s2, $0x0  }
0x92: {  	s3 =	rddreg [dreg:$0x2];
	[bflag:$0x3] =	sbarrier.arrive $0xFFFF;
	s2 =	simm.s32 @!p0 $0x1C04  }
0x93: {  	[timem:s3], [sflag:s2] =	dma.local @!p0 [hbm:s0], s1  }
0x94: {  	s0 =	simm.s32 @!p0 $0x4  }
0x95: {  	_ =	swait.ge @!p0 [sflag:s0], s1  }
0x96: {  	s1 =	ssub.s32 @!p0 $0x0, s1;
	[sflag:s0] =	ssyncset.done @!p0 $0x0  }
0x97: {  	[sflag:s0] =	ssyncadd.s32 @!p0 s1  }
0x98: {  	[bflag:$0x3] =	sbarrier.arrive $0xFFFF  }
0x99: {  	_ =	shalt  }

// kernel: kernel.14.cloned.1.call-start
scs
__scs_entry_jumppad:
0x0: {  	(pc) =	sbr.rel $0x88, $3  }
0x1: {  	(tag) =	ssettag $0x0;
	lr =	simm.s32 $0x1  }
0x2: {  	[smem:$0x3F8E] =	sst lr;
	_ =	strace $0xD0000000  }
0x3: {  	_ = 	snop  }
0x4: {  	_ = 	snop  }
0x5: {  	_ = 	snop  }
0x6: {  	_ = 	snop  }
0x7: {  	_ = 	snop  }
__scs_overlays_trampoline_lowered:
0x8: {  	[smem:$0x3F9D] =	sst s0  }
0x9: {  	[smem:$0x3F9E] =	sst s1  }
0xa: {  	[smem:$0x3F9F] =	sst s2  }
0xb: {  	[smem:$0x3FA0] =	sst s3  }
0xc: {  	[smem:$0x3FA1] =	sst s4  }
0xd: {  	[smem:$0x3FA2] =	sst s5  }
0xe: {  	[smem:$0x3FA3] =	sst s6  }
0xf: {  	[smem:$0x3FA4] =	sst s7  }
0x10: {  	[smem:$0x3FA5] =	sst s8  }
0x11: {  	[smem:$0x3FA6] =	sst s9;
	s0 =	simm.s32 @!p0 $0x0  }
0x12: {  	s1 =	sld [smem:$0x3F8C];
	s0 =	simm.s32 @p0 $0x1  }
0x13: {  	[smem:$0x3FA7] =	sst s0;
	s0 =	simm.s32 @!p1 $0x0  }
0x14: {  	s2 =	sld [smem:$0x3F8B];
	s0 =	simm.s32 @p1 $0x1  }
0x15: {  	[smem:$0x3FA8] =	sst s0;
	s0 =	simm.s32 @!p2 $0x0  }
0x16: {  	s3 =	sld [smem:$0x3FDB];
	s0 =	simm.s32 @p2 $0x1  }
0x17: {  	s4 =	simm.s32 $0x1BF5;
	[smem:$0x3FAA] =	sst s0  }
0x18: {  	s0 =	sld [smem:$0x3F8D];
	_ =	swait.ge [sflag:s4], $0x0  }
0x19: {  	s7 =	sld [smem:$0x3F8E]  }
0x1a: {  	s8 =	sadd.s32 $0xFFFFE003, lr  }
0x1b: {  	s9 =	sadd.s32 $0xFFFFFEF7, lr;
	s5 =	simm.s32 $0xFFFFFFFF;
	p2 =	slt.u32 s8, $0xFFFFF086  }
0x1c: {  	p1 =	slt.u32 s9, $0xF7A;
	s5 =	simm.s32 @!p2 $0x0  }
0x1d: {  	s5 =	simm.s32 @p1 $0x1;
	p0 =	seq.s32 s7, s2  }
0x1e: {  	s7 =	smul.u32 @!p0 $0xF7A, s2;
	p2 =	seq.s32 @!p0 s5, $0x0  }
0x1f: {  	s9 =	smul.u32 $0xF7A, s1;
	s8 =	simm.s32 @!p0 $0x1BF5;
	p2 =	por !p2, p0  }
0x20: {  	[sflag:s8] =	ssyncset.s32 @!p0 $0xFFFFF086;
	s6 =	sadd.s32 @!p0 s3, s7;
	s7 =	simm.s32 @!p0 $0x108  }
0x21: {  	s3 =	sadd.s32 s3, s9;
	s6 =	sadd.s32 @!p0 $0x88, s6;
	s7 =	simm.s32 @p2 $0x1082  }
0x22: {  	[simem:s7], [sflag:s8] =	dma.local @!p0 [hbm:s6], $0xF7A  }
0x23: {  	s9 =	sor.u32 $0xD0000000, s2;
	s6 =	simm.s32 $0x108;
	_ =	swait.ge @!p0 [sflag:s8], $0x0  }
0x24: {  	s3 =	sadd.s32 $0x88, s3;
	s6 =	simm.s32 @!p1 $0x1082;
	[sflag:s4] =	ssyncset.s32 $0xFFFFF086  }
0x25: {  	[simem:s6], [sflag:s4] =	dma.local [hbm:s3], $0xF7A  }
0x26: {  	[smem:$0x3F8E] =	sst s1;
	(tag) =	ssettag s2;
	_ =	strace s9  }
0x27: {  	s1 =	sld [smem:$0x3F9E]  }
0x28: {  	s2 =	sld [smem:$0x3F9F]  }
0x29: {  	s4 =	sld [smem:$0x3FA1]  }
0x2a: {  	p0 =	seq.s32 s5, $0x0;
	s5 =	sld [smem:$0x3FA2]  }
0x2b: {  	s6 =	sld [smem:$0x3FA3]  }
0x2c: {  	s7 =	sld [smem:$0x3FA4]  }
0x2d: {  	s3 =	simm.s32 $0x108;
	s8 =	sld [smem:$0x3FA5]  }
0x2e: {  	s3 =	simm.s32 @!p0 $0x1082;
	s9 =	sld [smem:$0x3FA6]  }
0x2f: {  	lr =	sadd.s32 s0, s3;
	s0 =	sld [smem:$0x3F9D]  }
0x30: {  	s3 =	sld [smem:$0x3FA0]  }
0x31: {  	[smem:$0x3FA9] =	sst s10  }
0x32: {  	s10 =	sld [smem:$0x3FA7];
	_ =	sdelay $0x3  }
0x33: {  	p0 =	seq.s32 s10, $0x1;
	s10 =	sld [smem:$0x3FA9];
	_ =	sdelay $0x3  }
0x34: {  	[smem:$0x3FA9] =	sst s10  }
0x35: {  	s10 =	sld [smem:$0x3FA8];
	_ =	sdelay $0x3  }
0x36: {  	p1 =	seq.s32 s10, $0x1;
	s10 =	sld [smem:$0x3FA9];
	_ =	sdelay $0x3  }
0x37: {  	[smem:$0x3FA9] =	sst s10  }
0x38: {  	s10 =	sld [smem:$0x3FAA]  }
0x39: {  	_ = 	snop;
	(pc) =	sbr.ind lr, $3  }
0x3a: {  	_ = 	snop  }
0x3b: {  	_ = 	snop  }
0x3c: {  	p2 =	seq.s32 s10, $0x1;
	s10 =	sld [smem:$0x3FA9]  }
0x3d: {  	_ =	shalt  }
0x3e: {  	_ =	shalt  }
0x3f: {  	_ =	shalt  }
0x40: {  	_ =	shalt  }
0x41: {  	_ =	shalt  }
0x42: {  	_ =	shalt  }
0x43: {  	_ =	shalt  }
0x44: {  	_ =	shalt  }
0x45: {  	_ =	shalt  }
0x46: {  	_ =	shalt  }
0x47: {  	_ =	shalt  }
0x48: {  	_ =	shalt  }
0x49: {  	_ =	shalt  }
0x4a: {  	_ =	shalt  }
0x4b: {  	_ =	shalt  }
0x4c: {  	_ =	shalt  }
0x4d: {  	_ =	shalt  }
0x4e: {  	_ =	shalt  }
0x4f: {  	_ =	shalt  }
0x50: {  	_ =	shalt  }
0x51: {  	_ =	shalt  }
0x52: {  	_ =	shalt  }
0x53: {  	_ =	shalt  }
0x54: {  	_ =	shalt  }
0x55: {  	_ =	shalt  }
0x56: {  	_ =	shalt  }
0x57: {  	_ =	shalt  }
0x58: {  	_ =	shalt  }
0x59: {  	_ =	shalt  }
0x5a: {  	_ =	shalt  }
0x5b: {  	_ =	shalt  }
0x5c: {  	_ =	shalt  }
0x5d: {  	_ =	shalt  }
0x5e: {  	_ =	shalt  }
0x5f: {  	_ =	shalt  }
0x60: {  	_ =	shalt  }
0x61: {  	_ =	shalt  }
0x62: {  	_ =	shalt  }
0x63: {  	_ =	shalt  }
0x64: {  	_ =	shalt  }
0x65: {  	_ =	shalt  }
0x66: {  	_ =	shalt  }
0x67: {  	_ =	shalt  }
0x68: {  	_ =	shalt  }
0x69: {  	_ =	shalt  }
0x6a: {  	_ =	shalt  }
0x6b: {  	_ =	shalt  }
0x6c: {  	_ =	shalt  }
0x6d: {  	_ =	shalt  }
0x6e: {  	_ =	shalt  }
0x6f: {  	_ =	shalt  }
0x70: {  	_ =	shalt  }
0x71: {  	_ =	shalt  }
0x72: {  	_ =	shalt  }
0x73: {  	_ =	shalt  }
0x74: {  	_ =	shalt  }
0x75: {  	_ =	shalt  }
0x76: {  	_ =	shalt  }
0x77: {  	_ =	shalt  }
0x78: {  	_ =	shalt  }
0x79: {  	_ =	shalt  }
0x7a: {  	_ =	shalt  }
0x7b: {  	_ =	shalt  }
0x7c: {  	_ =	shalt  }
0x7d: {  	_ =	shalt  }
0x7e: {  	_ =	shalt  }
0x7f: {  	_ =	shalt  }
0x80: {  	_ =	shalt  }
0x81: {  	_ =	shalt  }
0x82: {  	_ =	shalt  }
0x83: {  	_ =	shalt  }
0x84: {  	_ =	shalt  }
0x85: {  	_ =	shalt  }
0x86: {  	_ =	shalt  }
0x87: {  	_ =	shalt  }
.Lfunc_end0:
.L_simem_size_0:
called_computation.2_lowered:
.L_overlay_start_0:
0x88: {  	s2 =	sld [smem:$0x3FD9]  }
0x89: {  	s3 =	sld [smem:$0x3FFE];
	_ =	sdelay $0x1  }
0x8a: {  	s1 =	srdreg.scid  }
0x8b: {  	s0 =	sand.u32 $0x1, s1  }
0x8c: {  	s17 =	sshll.u32 s0, $0xA;
	s2 =	sadd.s32 s3, s2  }
0x8d: {  	s2 =	sadd.s32 s2, s17  }
0x8e: {  	[smem:$0x3FB5] =	sst s2  }
0x8f: {  	_ = 	snop  }
0x90: {  	s2 =	sld [smem:$0x3FD0];
	(tm) =	ssettm $0x1  }
0x91: {  	s18 =	sld [smem:$0x3FFB];
	_ =	sdelay $0x3  }
0x92: {  	_ =	strace s18  }
0x93: {  	s3 =	sld [smem:$0x3FFC];
	_ =	sdelay $0x3  }
0x94: {  	_ =	strace s3  }
0x95: {  	s3 =	sld [smem:$0x3FFD];
	_ =	sdelay $0x3  }
0x96: {  	_ =	strace s3  }
0x97: {  	_ =	strace $0x8FFFFFFF  }
0x98: {  	s19 =	sld [smem:$0x3FDB];
	_ =	sdelay $0x1  }
0x99: {  	s4 =	simm.s32 $_scs_section_size  }
0x9a: {  	s5 =	simm.s32 $_size__tile_overlayer_lowered;
	s6 =	simm.s32 $_tile_overlayer_lowered  }
0x9b: {  	s22 =	simm.s32 $0x1BFF;
	s21 =	sshll.u32 s6, $0x1;
	s3 =	sadd.s32 s4, s19  }
0x9c: {  	s7 =	simm.s32 $0x0;
	s20 =	sshll.u32 s5, $0x1;
	s5 =	sadd.s32 s21, s3  }
0x9d: {  	[timem:s7], [sflag:s22] =	dma.local [hbm:s5], s20  }
0x9e: {  	_ =	swait.ge [sflag:s22], s20  }
0x9f: {  	s4 =	ssub.s32 $0x0, s20;
	[sflag:s22] =	ssyncset.done $0x0  }
0xa0: {  	[sflag:s22] =	ssyncadd.s32 s4;
	_ =	sdelay $0x1  }
0xa1: {  	s23 =	simm.s32 $0x1B8B  }
0xa2: {  	_ =	swait.ge [sflag:s23], $0x1  }
0xa3: {  	[sflag:s23] =	ssyncset.done $0x0  }
0xa4: {  	s25 =	simm.s32 $0x1B8E;
	s24 =	sld [smem:$0x3FFE];
	[sflag:s23] =	ssyncadd.s32 $0xFFFFFFFF  }
0xa5: {  	s26 =	simm.s32 $execute0_lowered;
	[smem:$0x3FD2] =	sst s25  }
0xa6: {  	s5 =	sshll.u32 s26, $0x1;
	_ =	strace $0x8000004C;
	[dreg:$0x1] =	wrdreg $0xFFFFFFFF  }
0xa7: {  	s28 =	simm.s32 $_size_execute0_lowered;
	s3 =	sadd.s32 s3, s5;
	[dreg:$0x0] =	wrdreg $0x0  }
0xa8: {  	s5 =	sshll.u32 s28, $0x1;
	[dreg:$0x2] =	wrdreg s3  }
0xa9: {  	[dreg:$0x3] =	wrdreg s5  }
0xaa: {  	[dreg:$0x4] =	wrdreg $0xC0  }
0xab: {  	_ =	task [dreg:s7], $0x5FFFF  }
0xac: {  	[dreg:$0x1] =	wrdreg $0xFFFFFFFF  }
0xad: {  	[dreg:$0x0] =	wrdreg $0x60  }
0xae: {  	[dreg:$0x2] =	wrdreg s2  }
0xaf: {  	[dreg:$0x3] =	wrdreg s24  }
0xb0: {  	[dreg:$0x4] =	wrdreg $0x0  }
0xb1: {  	[dreg:$0x5] =	wrdreg $0x9  }
0xb2: {  	_ =	task.clear_ibuf [dreg:s7], $0x6FFFF;
	_ =	strace $0x9000004C  }
0xb3: {  	s29 =	simm.s32 $0x9;
	_ =	strace $0x8000004E  }
0xb4: {  	_ =	swait.ge [sflag:s29], $0x1  }
0xb5: {  	[sflag:s29] =	ssyncadd.s32 $0xFFFFFFFF  }
0xb6: {  	_ =	strace $0x9000004E  }
0xb7: {  	_ =	sfence  }
0xb8: {  	s30 =	sld [smem:$0x0];
	_ =	sdelay $0x2  }
0xb9: {  	s31 =	sshll.u32 s1, $0xD;
	s1 =	sshrl.u32 s1, $0x2  }
0xba: {  	s3 =	sand.u32 $0x4000, s31;
	s1 =	sadd.s32 s1, s30  }
0xbb: {  	s0 =	sor.u32 s3, s0;
	s1 =	sshll.u32 s1, $0x11  }
0xbc: {  	s0 =	sor.u32 s1, s0  }
0xbd: {  	s0 =	sadd.s32 $0x8F2B, s0  }
0xbe: {  	[sflag:s0] =	ssyncadd.remote.s32 $0x1  }
0xbf: {  	_ =	sfence.sel $0xFFFF  }
0xc0: {  	[dreg:$0x0] =	wrdreg $0xFFFFFFFF;
	(pc) =	sbr.abs _section_cstart, $3  }
0xc1: {  	[dreg:$0x1] =	wrdreg $0xFFFFFFFF  }
0xc2: {  	_ =	task.clear_ibuf [dreg:s7], $0x2FFFF;
	_ =	strace $0x9FFFFFFF  }
0xc3: {  	(tm) =	ssettm $0x7FFFFFFF  }
tec
execute0_lowered:
.L_overlay_start_1:
0x0: {  	(tag) =	ssettag $0x1  }
0x1: {  	s1 =	rddreg [dreg:$0x0]  }
0x2: {  	s0 =	rddreg [dreg:$0x1]  }
0x3: {  	s2 =	rddreg [dreg:$0x2];
	s4 =	simm.s32 $0x0;
	s3 =	srdreg.scid  }
0x4: {  	s14 =	stileid.u32;
	s19 =	simm.s32 $0x14000;
	s28 =	simm.s32 $0x1  }
0x5: {  	s29 =	simm.s32 $0x3;
	s30 =	simm.s32 $0x0;
	s8 =	smul.u32 $0x14000, s14  }
0x6: {  	[smem:$0x7FF] =	sst s4;
	s3 =	sand.u32 $0x1, s3;
	s12 =	smul.u32 $0x50000, s14  }
0x7: {  	s5 =	sadd.s32 $0xDA00, s0;
	s6 =	sadd.s32 $0x3C00, s0;
	s13 =	smul.u32 $0x2710, s14  }
0x8: {  	s10 =	sadd.s32 $0x17800, s0;
	s26 =	sshll.u32 s14, $0x6;
	s7 =	smul.u32 $0x140000, s3  }
0x9: {  	_ =	strace $0x8000004D;
	s9 =	sshll.u32 s3, $0x4;
	[dreg:$0x4] =	wrdreg s10  }
0xa: {  	s21 =	ssub.s32 $0x2, s3;
	s3 =	smul.u32 $0x27100, s3;
	s20 =	sor.u32 s14, s9  }
0xb: {  	s22 =	sshrl.u32 s21, $0x1;
	s12 =	sshrl.u32 s12, $0x2;
	s7 =	sadd.s32 s8, s7  }
0xc: {  	s8 =	smul.u32 $0x2710, s20;
	s3 =	sadd.s32 s13, s3;
	s12 =	sadd.s32 s12, s2  }
0xd: {  	s13 =	sor.u32 $0x1C04, s26;
	s20 =	simm.s32 $0x14100;
	s26 =	simm.s32 $0x14400  }
0xe: {  	s7 =	sshrl.u32 s7, $0x3;
	s15 =	sadd.s32 $0x258, s3;
	s18 =	sadd.s32 $0x190, s3  }
0xf: {  	s0 =	sadd.s32 s7, s0;
	s7 =	ssub.s32 s21, s22;
	s23 =	sadd.s32 $0xC8, s8  }
0x10: {  	s24 =	sshrl.u32 s8, $0x3;
	s31 =	sshrl.u32 s15, $0x3;
	s21 =	simm.s32 $0x14200  }
0x11: {  	s22 =	simm.s32 $0x14300;
	s11 =	sshrl.u32 s23, $0x3;
	s8 =	sadd.s32 s5, s24  }
0x12: {  	s25 =	sadd.s32 s6, s24;
	s14 =	sadd.s32 $0x1A000, s0;
	s15 =	smax.u32 s7, $0x1  }
0x13: {  	s16 =	sadd.s32 s31, s6;
	s17 =	sadd.s32 s31, s5;
	[dreg:$0x5] =	wrdreg s8  }
0x14: {  	s23 =	simm.s32 $0x4;
	s24 =	simm.s32 $0x2;
	[dreg:$0x6] =	wrdreg s25  }
0x15: {  	s10 =	sadd.s32 s5, s11;
	s11 =	sadd.s32 s6, s11;
	s25 =	simm.s32 $0xC8  }
.LBB2_1:
0x16: {  	s0 =	rddreg [dreg:$0x5]  }
0x17: {  	[tilespmem:s19], [sflag:$0x2] =	stream.linear.gather [hbm4b:s0+s4], $0xC8, $0x38;
	[tilespmem:$0x1A800] =	vst v63  }
0x18: {  	s3 =	rddreg [dreg:$0x6]  }
0x19: {  	[tilespmem:s20], [sflag:$0x2] =	stream.linear.gather [hbm4b:s3+s4], $0xC8, $0x38;
	[tilespmem:$0x1A800] =	vst v63  }
0x1a: {  	_ = 	snop  }
0x1b: {  	[tilespmem:s21], [sflag:$0x3] =	stream.linear.gather [hbm4b:s10+s4], $0xC8, $0x38;
	[tilespmem:$0x1A800] =	vst v63  }
0x1c: {  	s31 =	sshrl.u32 s12, $0x3;
	s7 =	rddreg [dreg:$0x4]  }
0x1d: {  	[tilespmem:s22], [sflag:$0x3] =	stream.linear.gather [hbm4b:s11+s4], $0xC8, $0x38;
	[tilespmem:$0x1A800] =	vst v63  }
0x1e: {  	[spmem:s31], [sflag:s13] =	dma.local [hbm:s7], $0x2800  }
0x1f: {  	_ =	swait.ge [sflag:s23], $0x2800  }
0x20: {  	[sflag:s23] =	ssyncset.done $0x0  }
0x21: {  	[sflag:s23] =	ssyncadd.s32 $0xFFFFD800  }
0x22: {  	[bflag:$0x0] =	sbarrier.arrive $0xFFFF  }
0x23: {  	_ =	swait.ge [sflag:s24], $0xC8  }
0x24: {  	[sflag:s24] =	ssyncset.done $0x0  }
0x25: {  	[sflag:s24] =	ssyncadd.s32 $0xFFFFFF38  }
0x26: {  	_ =	swait.ge [sflag:s24], $0xC8  }
0x27: {  	[sflag:s24] =	ssyncset.done $0x0  }
0x28: {  	[sflag:s24] =	ssyncadd.s32 $0xFFFFFF38  }
0x29: {  	[tilespmem:s26], [sflag:$0x1] =	stream.indirect.gather [hbm4b:s1+s25], $0x80, s19, s25, $0xb8;
	[tilespmem:$0x1A800] =	vst v63  }
0x2a: {  	_ =	swait.ge [sflag:s28], $0x6400  }
0x2b: {  	[sflag:s28] =	ssyncset.done $0x0  }
0x2c: {  	[sflag:s28] =	ssyncadd.s32 $0xFFFF9C00  }
0x2d: {  	[spmem:s2] =	stream.indirect.scatter.add.f32 [tilespmem:s26], [sflag:$0x4], $0x80, s20, s25, $0xb8;
	[tilespmem:$0x1A800] =	vst v63  }
0x2e: {  	_ =	swait.ge [sflag:s23], $0x6400  }
0x2f: {  	s8 =	sshrl.u32 s18, $0x3;
	[sflag:s23] =	ssyncset.done $0x0  }
0x30: {  	s3 =	sadd.s32 s5, s8;
	[sflag:s23] =	ssyncadd.s32 $0xFFFF9C00  }
0x31: {  	[tilespmem:s19], [sflag:$0x2] =	stream.linear.gather [hbm4b:s3+s4], $0xC8, $0x38;
	[tilespmem:$0x1A800] =	vst v63  }
0x32: {  	s0 =	sadd.s32 s6, s8  }
0x33: {  	[tilespmem:s20], [sflag:$0x2] =	stream.linear.gather [hbm4b:s0+s4], $0xC8, $0x38;
	[tilespmem:$0x1A800] =	vst v63  }
0x34: {  	_ =	swait.ge [sflag:s29], $0xC8  }
0x35: {  	[sflag:s29] =	ssyncset.done $0x0  }
0x36: {  	[sflag:s29] =	ssyncadd.s32 $0xFFFFFF38  }
0x37: {  	_ =	swait.ge [sflag:s29], $0xC8  }
0x38: {  	[sflag:s29] =	ssyncset.done $0x0  }
0x39: {  	[sflag:s29] =	ssyncadd.s32 $0xFFFFFF38  }
0x3a: {  	[tilespmem:s26], [sflag:$0x1] =	stream.indirect.gather [hbm4b:s1+s25], $0x80, s21, s25, $0xb8;
	[tilespmem:$0x1A800] =	vst v63  }
0x3b: {  	_ =	swait.ge [sflag:s28], $0x6400  }
0x3c: {  	[sflag:s28] =	ssyncset.done $0x0  }
0x3d: {  	[sflag:s28] =	ssyncadd.s32 $0xFFFF9C00  }
0x3e: {  	[spmem:s2] =	stream.indirect.scatter.add.f32 [tilespmem:s26], [sflag:$0x4], $0x80, s22, s25, $0xb8;
	[tilespmem:$0x1A800] =	vst v63  }
0x3f: {  	_ =	swait.ge [sflag:s23], $0x6400  }
0x40: {  	s9 =	sadd.s32 $0x0, s17;
	s7 =	sadd.s32 $0x0, s16;
	[sflag:s23] =	ssyncset.done $0x0  }
0x41: {  	s3 =	sadd.s32 $0x190, s18;
	s0 =	simm.s32 $0x32;
	[sflag:s23] =	ssyncadd.s32 $0xFFFF9C00  }
0x42: {  	[tilespmem:s21], [sflag:$0x3] =	stream.linear.gather [hbm4b:s9+s4], $0xC8, $0x38;
	[tilespmem:$0x1A800] =	vst v63  }
.LBB2_2:
0x43: {  	[tilespmem:s22], [sflag:$0x3] =	stream.linear.gather [hbm4b:s7+s4], $0xC8, $0x38;
	[tilespmem:$0x1A800] =	vst v63  }
0x44: {  	s7 =	smov.u32 s0  }
0x45: {  	p0 =	sne.s32 s0, $0x47E;
	s0 =	sadd.s32 $0x32, s0;
	_ =	swait.ge [sflag:s24], $0xC8  }
0x46: {  	[sflag:s24] =	ssyncset.done $0x0  }
0x47: {  	[sflag:s24] =	ssyncadd.s32 $0xFFFFFF38  }
0x48: {  	_ =	swait.ge [sflag:s24], $0xC8  }
0x49: {  	[sflag:s24] =	ssyncset.done $0x0  }
0x4a: {  	[sflag:s24] =	ssyncadd.s32 $0xFFFFFF38  }
0x4b: {  	[tilespmem:s26], [sflag:$0x1] =	stream.indirect.gather [hbm4b:s1+s25], $0x80, s19, s25, $0xb8;
	[tilespmem:$0x1A800] =	vst v63  }
0x4c: {  	_ =	swait.ge [sflag:s28], $0x6400  }
0x4d: {  	[sflag:s28] =	ssyncset.done $0x0  }
0x4e: {  	[sflag:s28] =	ssyncadd.s32 $0xFFFF9C00  }
0x4f: {  	[spmem:s2] =	stream.indirect.scatter.add.f32 [tilespmem:s26], [sflag:$0x4], $0x80, s20, s25, $0xb8;
	[tilespmem:$0x1A800] =	vst v63  }
0x50: {  	_ =	swait.ge [sflag:s23], $0x6400  }
0x51: {  	s8 =	sshrl.u32 s3, $0x3;
	[sflag:s23] =	ssyncset.done $0x0  }
0x52: {  	s9 =	sadd.s32 s5, s8;
	[sflag:s23] =	ssyncadd.s32 $0xFFFF9C00  }
0x53: {  	[tilespmem:s19], [sflag:$0x2] =	stream.linear.gather [hbm4b:s9+s4], $0xC8, $0x38;
	[tilespmem:$0x1A800] =	vst v63  }
0x54: {  	s8 =	sadd.s32 s6, s8  }
0x55: {  	[tilespmem:s20], [sflag:$0x2] =	stream.linear.gather [hbm4b:s8+s4], $0xC8, $0x38;
	[tilespmem:$0x1A800] =	vst v63  }
0x56: {  	_ =	swait.ge [sflag:s29], $0xC8  }
0x57: {  	[sflag:s29] =	ssyncset.done $0x0  }
0x58: {  	[sflag:s29] =	ssyncadd.s32 $0xFFFFFF38  }
0x59: {  	_ =	swait.ge [sflag:s29], $0xC8  }
0x5a: {  	[sflag:s29] =	ssyncset.done $0x0  }
0x5b: {  	[sflag:s29] =	ssyncadd.s32 $0xFFFFFF38  }
0x5c: {  	[tilespmem:s26], [sflag:$0x1] =	stream.indirect.gather [hbm4b:s1+s25], $0x80, s21, s25, $0xb8;
	[tilespmem:$0x1A800] =	vst v63  }
0x5d: {  	_ =	swait.ge [sflag:s28], $0x6400  }
0x5e: {  	[sflag:s28] =	ssyncset.done $0x0  }
0x5f: {  	[sflag:s28] =	ssyncadd.s32 $0xFFFF9C00  }
0x60: {  	[spmem:s2] =	stream.indirect.scatter.add.f32 [tilespmem:s26], [sflag:$0x4], $0x80, s22, s25, $0xb8;
	[tilespmem:$0x1A800] =	vst v63  }
.Ltmp0:
0x61: {  	_ =	swait.ge [sflag:s23], $0x6400;
	(pc) =	sbr.rel @p0 .LBB2_2-.Ltmp0, $4  }
0x62: {  	[sflag:s23] =	ssyncset.done $0x0  }
0x63: {  	s8 =	sadd.s32 s7, s17;
	[sflag:s23] =	ssyncadd.s32 $0xFFFF9C00  }
0x64: {  	[tilespmem:s21], [sflag:$0x3] =	stream.linear.gather [hbm4b:s8+s4], $0xC8, $0x38;
	[tilespmem:$0x1A800] =	vst v63  }
0x65: {  	s3 =	sadd.s32 $0x190, s3;
	s7 =	sadd.s32 s7, s16  }
0x66: {  	[tilespmem:s22], [sflag:$0x3] =	stream.linear.gather [hbm4b:s7+s4], $0xC8, $0x38;
	[tilespmem:$0x1A800] =	vst v63  }
0x67: {  	_ =	swait.ge [sflag:s24], $0xC8  }
0x68: {  	[sflag:s24] =	ssyncset.done $0x0  }
0x69: {  	[sflag:s24] =	ssyncadd.s32 $0xFFFFFF38  }
0x6a: {  	_ =	swait.ge [sflag:s24], $0xC8  }
0x6b: {  	[sflag:s24] =	ssyncset.done $0x0  }
0x6c: {  	[sflag:s24] =	ssyncadd.s32 $0xFFFFFF38  }
0x6d: {  	[tilespmem:s26], [sflag:$0x1] =	stream.indirect.gather [hbm4b:s1+s25], $0x80, s19, s25, $0xb8;
	[tilespmem:$0x1A800] =	vst v63  }
0x6e: {  	_ =	swait.ge [sflag:s28], $0x6400  }
0x6f: {  	[sflag:s28] =	ssyncset.done $0x0  }
0x70: {  	[sflag:s28] =	ssyncadd.s32 $0xFFFF9C00  }
0x71: {  	[spmem:s2] =	stream.indirect.scatter.add.f32 [tilespmem:s26], [sflag:$0x4], $0x80, s20, s25, $0xb8;
	[tilespmem:$0x1A800] =	vst v63  }
0x72: {  	_ =	swait.ge [sflag:s23], $0x6400  }
0x73: {  	[sflag:s23] =	ssyncset.done $0x0  }
0x74: {  	[sflag:s23] =	ssyncadd.s32 $0xFFFF9C00  }
0x75: {  	_ =	swait.ge [sflag:s29], $0xC8  }
0x76: {  	[sflag:s29] =	ssyncset.done $0x0  }
0x77: {  	[sflag:s29] =	ssyncadd.s32 $0xFFFFFF38  }
0x78: {  	_ =	swait.ge [sflag:s29], $0xC8  }
0x79: {  	[sflag:s29] =	ssyncset.done $0x0  }
0x7a: {  	[sflag:s29] =	ssyncadd.s32 $0xFFFFFF38  }
0x7b: {  	[tilespmem:s26], [sflag:$0x1] =	stream.indirect.gather [hbm4b:s1+s25], $0x80, s21, s25, $0xb8;
	[tilespmem:$0x1A800] =	vst v63  }
0x7c: {  	_ =	swait.ge [sflag:s28], $0x6400  }
0x7d: {  	[sflag:s28] =	ssyncset.done $0x0  }
0x7e: {  	[sflag:s28] =	ssyncadd.s32 $0xFFFF9C00  }
0x7f: {  	[spmem:s2] =	stream.indirect.scatter.add.f32 [tilespmem:s26], [sflag:$0x4], $0x80, s22, s25, $0xb8;
	[tilespmem:$0x1A800] =	vst v63  }
0x80: {  	_ =	swait.ge [sflag:s23], $0x6400  }
0x81: {  	s30 =	sadd.s32 $0x1, s30;
	[sflag:s23] =	ssyncset.done $0x0  }
0x82: {  	p0 =	sne.s32 s30, s15;
	[sflag:s23] =	ssyncadd.s32 $0xFFFF9C00  }
.Ltmp1:
0x83: {  	[bflag:$0x0] =	sbarrier.arrive $0xFFFF;
	(pc) =	sbr.rel @p0 .LBB2_1-.Ltmp1, $4  }
0x84: {  	[hbm:s14], [sflag:s13] =	dma.local [spmem:s31], $0x2800  }
0x85: {  	_ =	swait.ge [sflag:s23], $0x2800  }
0x86: {  	[sflag:s23] =	ssyncset.done $0x0  }
0x87: {  	[sflag:s23] =	ssyncadd.s32 $0xFFFFD800  }
0x88: {  	_ =	sfence.sel $0x180000  }
0x89: {  	[bflag:$0x0] =	sbarrier.arrive $0xFFFF  }
0x8a: {  	_ =	strace $0x9000004D  }
0x8b: {  	s0 =	stileid.u32;
	[bflag:$0x2] =	sbarrier.arrive $0xFFFF  }
0x8c: {  	p0 =	sne.s32 s0, $0x0;
	s0 =	rddreg [dreg:$0x3]  }
0x8d: {  	s0 =	sadd.s32 @!p0 $0x100000, s0  }
0x8e: {  	[sflag:s0] =	ssyncadd.tile.s32 @!p0 $0x1;
	_ =	shalt  }
.Lfunc_end2:
_tile_overlayer_lowered:
.L_overlay_start_2:
0x8f: {  	(tag) =	ssettag $0x2  }
0x90: {  	s0 =	rddreg [dreg:$0x0];
	s2 =	stileid.u32  }
0x91: {  	s1 =	rddreg [dreg:$0x1];
	p0 =	sne.s32 s2, $0x0  }
0x92: {  	s3 =	rddreg [dreg:$0x2];
	[bflag:$0x3] =	sbarrier.arrive $0xFFFF;
	s2 =	simm.s32 @!p0 $0x1C04  }
0x93: {  	[timem:s3], [sflag:s2] =	dma.local @!p0 [hbm:s0], s1  }
0x94: {  	s0 =	simm.s32 @!p0 $0x4  }
0x95: {  	_ =	swait.ge @!p0 [sflag:s0], s1  }
0x96: {  	s1 =	ssub.s32 @!p0 $0x0, s1;
	[sflag:s0] =	ssyncset.done @!p0 $0x0  }
0x97: {  	[sflag:s0] =	ssyncadd.s32 @!p0 s1  }
0x98: {  	[bflag:$0x3] =	sbarrier.arrive $0xFFFF  }
0x99: {  	_ =	shalt  }

// kernel: kernel.8.cloned.1.call-start
scs
__scs_entry_jumppad:
0x0: {  	(pc) =	sbr.rel $0x88, $3  }
0x1: {  	(tag) =	ssettag $0x0;
	lr =	simm.s32 $0x1  }
0x2: {  	[smem:$0x3F8E] =	sst lr;
	_ =	strace $0xD0000000  }
0x3: {  	_ = 	snop  }
0x4: {  	_ = 	snop  }
0x5: {  	_ = 	snop  }
0x6: {  	_ = 	snop  }
0x7: {  	_ = 	snop  }
__scs_overlays_trampoline_lowered:
0x8: {  	[smem:$0x3F9D] =	sst s0  }
0x9: {  	[smem:$0x3F9E] =	sst s1  }
0xa: {  	[smem:$0x3F9F] =	sst s2  }
0xb: {  	[smem:$0x3FA0] =	sst s3  }
0xc: {  	[smem:$0x3FA1] =	sst s4  }
0xd: {  	[smem:$0x3FA2] =	sst s5  }
0xe: {  	[smem:$0x3FA3] =	sst s6  }
0xf: {  	[smem:$0x3FA4] =	sst s7  }
0x10: {  	[smem:$0x3FA5] =	sst s8  }
0x11: {  	[smem:$0x3FA6] =	sst s9;
	s0 =	simm.s32 @!p0 $0x0  }
0x12: {  	s1 =	sld [smem:$0x3F8C];
	s0 =	simm.s32 @p0 $0x1  }
0x13: {  	[smem:$0x3FA7] =	sst s0;
	s0 =	simm.s32 @!p1 $0x0  }
0x14: {  	s2 =	sld [smem:$0x3F8B];
	s0 =	simm.s32 @p1 $0x1  }
0x15: {  	[smem:$0x3FA8] =	sst s0;
	s0 =	simm.s32 @!p2 $0x0  }
0x16: {  	s3 =	sld [smem:$0x3FDB];
	s0 =	simm.s32 @p2 $0x1  }
0x17: {  	s4 =	simm.s32 $0x1BF5;
	[smem:$0x3FAA] =	sst s0  }
0x18: {  	s0 =	sld [smem:$0x3F8D];
	_ =	swait.ge [sflag:s4], $0x0  }
0x19: {  	s7 =	sld [smem:$0x3F8E]  }
0x1a: {  	s8 =	sadd.s32 $0xFFFFE003, lr  }
0x1b: {  	s9 =	sadd.s32 $0xFFFFFEF7, lr;
	s5 =	simm.s32 $0xFFFFFFFF;
	p2 =	slt.u32 s8, $0xFFFFF086  }
0x1c: {  	p1 =	slt.u32 s9, $0xF7A;
	s5 =	simm.s32 @!p2 $0x0  }
0x1d: {  	s5 =	simm.s32 @p1 $0x1;
	p0 =	seq.s32 s7, s2  }
0x1e: {  	s7 =	smul.u32 @!p0 $0xF7A, s2;
	p2 =	seq.s32 @!p0 s5, $0x0  }
0x1f: {  	s9 =	smul.u32 $0xF7A, s1;
	s8 =	simm.s32 @!p0 $0x1BF5;
	p2 =	por !p2, p0  }
0x20: {  	[sflag:s8] =	ssyncset.s32 @!p0 $0xFFFFF086;
	s6 =	sadd.s32 @!p0 s3, s7;
	s7 =	simm.s32 @!p0 $0x108  }
0x21: {  	s3 =	sadd.s32 s3, s9;
	s6 =	sadd.s32 @!p0 $0x88, s6;
	s7 =	simm.s32 @p2 $0x1082  }
0x22: {  	[simem:s7], [sflag:s8] =	dma.local @!p0 [hbm:s6], $0xF7A  }
0x23: {  	s9 =	sor.u32 $0xD0000000, s2;
	s6 =	simm.s32 $0x108;
	_ =	swait.ge @!p0 [sflag:s8], $0x0  }
0x24: {  	s3 =	sadd.s32 $0x88, s3;
	s6 =	simm.s32 @!p1 $0x1082;
	[sflag:s4] =	ssyncset.s32 $0xFFFFF086  }
0x25: {  	[simem:s6], [sflag:s4] =	dma.local [hbm:s3], $0xF7A  }
0x26: {  	[smem:$0x3F8E] =	sst s1;
	(tag) =	ssettag s2;
	_ =	strace s9  }
0x27: {  	s1 =	sld [smem:$0x3F9E]  }
0x28: {  	s2 =	sld [smem:$0x3F9F]  }
0x29: {  	s4 =	sld [smem:$0x3FA1]  }
0x2a: {  	p0 =	seq.s32 s5, $0x0;
	s5 =	sld [smem:$0x3FA2]  }
0x2b: {  	s6 =	sld [smem:$0x3FA3]  }
0x2c: {  	s7 =	sld [smem:$0x3FA4]  }
0x2d: {  	s3 =	simm.s32 $0x108;
	s8 =	sld [smem:$0x3FA5]  }
0x2e: {  	s3 =	simm.s32 @!p0 $0x1082;
	s9 =	sld [smem:$0x3FA6]  }
0x2f: {  	lr =	sadd.s32 s0, s3;
	s0 =	sld [smem:$0x3F9D]  }
0x30: {  	s3 =	sld [smem:$0x3FA0]  }
0x31: {  	[smem:$0x3FA9] =	sst s10  }
0x32: {  	s10 =	sld [smem:$0x3FA7];
	_ =	sdelay $0x3  }
0x33: {  	p0 =	seq.s32 s10, $0x1;
	s10 =	sld [smem:$0x3FA9];
	_ =	sdelay $0x3  }
0x34: {  	[smem:$0x3FA9] =	sst s10  }
0x35: {  	s10 =	sld [smem:$0x3FA8];
	_ =	sdelay $0x3  }
0x36: {  	p1 =	seq.s32 s10, $0x1;
	s10 =	sld [smem:$0x3FA9];
	_ =	sdelay $0x3  }
0x37: {  	[smem:$0x3FA9] =	sst s10  }
0x38: {  	s10 =	sld [smem:$0x3FAA]  }
0x39: {  	_ = 	snop;
	(pc) =	sbr.ind lr, $3  }
0x3a: {  	_ = 	snop  }
0x3b: {  	_ = 	snop  }
0x3c: {  	p2 =	seq.s32 s10, $0x1;
	s10 =	sld [smem:$0x3FA9]  }
0x3d: {  	_ =	shalt  }
0x3e: {  	_ =	shalt  }
0x3f: {  	_ =	shalt  }
0x40: {  	_ =	shalt  }
0x41: {  	_ =	shalt  }
0x42: {  	_ =	shalt  }
0x43: {  	_ =	shalt  }
0x44: {  	_ =	shalt  }
0x45: {  	_ =	shalt  }
0x46: {  	_ =	shalt  }
0x47: {  	_ =	shalt  }
0x48: {  	_ =	shalt  }
0x49: {  	_ =	shalt  }
0x4a: {  	_ =	shalt  }
0x4b: {  	_ =	shalt  }
0x4c: {  	_ =	shalt  }
0x4d: {  	_ =	shalt  }
0x4e: {  	_ =	shalt  }
0x4f: {  	_ =	shalt  }
0x50: {  	_ =	shalt  }
0x51: {  	_ =	shalt  }
0x52: {  	_ =	shalt  }
0x53: {  	_ =	shalt  }
0x54: {  	_ =	shalt  }
0x55: {  	_ =	shalt  }
0x56: {  	_ =	shalt  }
0x57: {  	_ =	shalt  }
0x58: {  	_ =	shalt  }
0x59: {  	_ =	shalt  }
0x5a: {  	_ =	shalt  }
0x5b: {  	_ =	shalt  }
0x5c: {  	_ =	shalt  }
0x5d: {  	_ =	shalt  }
0x5e: {  	_ =	shalt  }
0x5f: {  	_ =	shalt  }
0x60: {  	_ =	shalt  }
0x61: {  	_ =	shalt  }
0x62: {  	_ =	shalt  }
0x63: {  	_ =	shalt  }
0x64: {  	_ =	shalt  }
0x65: {  	_ =	shalt  }
0x66: {  	_ =	shalt  }
0x67: {  	_ =	shalt  }
0x68: {  	_ =	shalt  }
0x69: {  	_ =	shalt  }
0x6a: {  	_ =	shalt  }
0x6b: {  	_ =	shalt  }
0x6c: {  	_ =	shalt  }
0x6d: {  	_ =	shalt  }
0x6e: {  	_ =	shalt  }
0x6f: {  	_ =	shalt  }
0x70: {  	_ =	shalt  }
0x71: {  	_ =	shalt  }
0x72: {  	_ =	shalt  }
0x73: {  	_ =	shalt  }
0x74: {  	_ =	shalt  }
0x75: {  	_ =	shalt  }
0x76: {  	_ =	shalt  }
0x77: {  	_ =	shalt  }
0x78: {  	_ =	shalt  }
0x79: {  	_ =	shalt  }
0x7a: {  	_ =	shalt  }
0x7b: {  	_ =	shalt  }
0x7c: {  	_ =	shalt  }
0x7d: {  	_ =	shalt  }
0x7e: {  	_ =	shalt  }
0x7f: {  	_ =	shalt  }
0x80: {  	_ =	shalt  }
0x81: {  	_ =	shalt  }
0x82: {  	_ =	shalt  }
0x83: {  	_ =	shalt  }
0x84: {  	_ =	shalt  }
0x85: {  	_ =	shalt  }
0x86: {  	_ =	shalt  }
0x87: {  	_ =	shalt  }
.Lfunc_end0:
.L_simem_size_0:
called_computation_lowered:
.L_overlay_start_0:
0x88: {  	s2 =	sld [smem:$0x3FD9]  }
0x89: {  	s3 =	sld [smem:$0x3FFE];
	_ =	sdelay $0x1  }
0x8a: {  	s1 =	srdreg.scid  }
0x8b: {  	s0 =	sand.u32 $0x1, s1  }
0x8c: {  	s17 =	sshll.u32 s0, $0xA;
	s2 =	sadd.s32 s3, s2  }
0x8d: {  	s2 =	sadd.s32 s2, s17  }
0x8e: {  	[smem:$0x3FB5] =	sst s2  }
0x8f: {  	_ = 	snop  }
0x90: {  	s2 =	sld [smem:$0x3FC9];
	(tm) =	ssettm $0x1  }
0x91: {  	s18 =	sld [smem:$0x3FFB];
	_ =	sdelay $0x3  }
0x92: {  	_ =	strace s18  }
0x93: {  	s3 =	sld [smem:$0x3FFC];
	_ =	sdelay $0x3  }
0x94: {  	_ =	strace s3  }
0x95: {  	s3 =	sld [smem:$0x3FFD];
	_ =	sdelay $0x3  }
0x96: {  	_ =	strace s3  }
0x97: {  	_ =	strace $0x8FFFFFFF  }
0x98: {  	s19 =	sld [smem:$0x3FDB];
	_ =	sdelay $0x1  }
0x99: {  	s4 =	simm.s32 $_scs_section_size  }
0x9a: {  	s5 =	simm.s32 $_size__tile_overlayer_lowered;
	s6 =	simm.s32 $_tile_overlayer_lowered  }
0x9b: {  	s22 =	simm.s32 $0x1BFF;
	s21 =	sshll.u32 s6, $0x1;
	s3 =	sadd.s32 s4, s19  }
0x9c: {  	s7 =	simm.s32 $0x0;
	s20 =	sshll.u32 s5, $0x1;
	s5 =	sadd.s32 s21, s3  }
0x9d: {  	[timem:s7], [sflag:s22] =	dma.local [hbm:s5], s20  }
0x9e: {  	_ =	swait.ge [sflag:s22], s20  }
0x9f: {  	s4 =	ssub.s32 $0x0, s20;
	[sflag:s22] =	ssyncset.done $0x0  }
0xa0: {  	[sflag:s22] =	ssyncadd.s32 s4;
	_ =	sdelay $0x1  }
0xa1: {  	s23 =	simm.s32 $0x1B8B  }
0xa2: {  	_ =	swait.ge [sflag:s23], $0x1  }
0xa3: {  	[sflag:s23] =	ssyncset.done $0x0  }
0xa4: {  	s25 =	simm.s32 $0x1B8E;
	s24 =	sld [smem:$0x3FFE];
	[sflag:s23] =	ssyncadd.s32 $0xFFFFFFFF  }
0xa5: {  	s26 =	simm.s32 $execute0_lowered;
	[smem:$0x3FD2] =	sst s25  }
0xa6: {  	s5 =	sshll.u32 s26, $0x1;
	_ =	strace $0x80000046;
	[dreg:$0x1] =	wrdreg $0xFFFFFFFF  }
0xa7: {  	s28 =	simm.s32 $_size_execute0_lowered;
	s3 =	sadd.s32 s3, s5;
	[dreg:$0x0] =	wrdreg $0x0  }
0xa8: {  	s5 =	sshll.u32 s28, $0x1;
	[dreg:$0x2] =	wrdreg s3  }
0xa9: {  	[dreg:$0x3] =	wrdreg s5  }
0xaa: {  	[dreg:$0x4] =	wrdreg $0xC0  }
0xab: {  	_ =	task [dreg:s7], $0x5FFFF  }
0xac: {  	[dreg:$0x1] =	wrdreg $0xFFFFFFFF  }
0xad: {  	[dreg:$0x0] =	wrdreg $0x60  }
0xae: {  	[dreg:$0x2] =	wrdreg s2  }
0xaf: {  	[dreg:$0x3] =	wrdreg s24  }
0xb0: {  	[dreg:$0x4] =	wrdreg $0x0  }
0xb1: {  	[dreg:$0x5] =	wrdreg $0x9  }
0xb2: {  	_ =	task.clear_ibuf [dreg:s7], $0x6FFFF;
	_ =	strace $0x90000046  }
0xb3: {  	s29 =	simm.s32 $0x9;
	_ =	strace $0x80000048  }
0xb4: {  	_ =	swait.ge [sflag:s29], $0x1  }
0xb5: {  	[sflag:s29] =	ssyncadd.s32 $0xFFFFFFFF  }
0xb6: {  	_ =	strace $0x90000048  }
0xb7: {  	_ =	sfence  }
0xb8: {  	s30 =	sld [smem:$0x0];
	_ =	sdelay $0x2  }
0xb9: {  	s31 =	sshll.u32 s1, $0xD;
	s1 =	sshrl.u32 s1, $0x2  }
0xba: {  	s3 =	sand.u32 $0x4000, s31;
	s1 =	sadd.s32 s1, s30  }
0xbb: {  	s0 =	sor.u32 s3, s0;
	s1 =	sshll.u32 s1, $0x11  }
0xbc: {  	s0 =	sor.u32 s1, s0  }
0xbd: {  	s0 =	sadd.s32 $0x8F2B, s0  }
0xbe: {  	[sflag:s0] =	ssyncadd.remote.s32 $0x1  }
0xbf: {  	_ =	sfence.sel $0xFFFF  }
0xc0: {  	[dreg:$0x0] =	wrdreg $0xFFFFFFFF;
	(pc) =	sbr.abs _section_cstart, $3  }
0xc1: {  	[dreg:$0x1] =	wrdreg $0xFFFFFFFF  }
0xc2: {  	_ =	task.clear_ibuf [dreg:s7], $0x2FFFF;
	_ =	strace $0x9FFFFFFF  }
0xc3: {  	(tm) =	ssettm $0x7FFFFFFF  }
tec
execute0_lowered:
.L_overlay_start_1:
0x0: {  	(tag) =	ssettag $0x1  }
0x1: {  	s1 =	rddreg [dreg:$0x0]  }
0x2: {  	s0 =	rddreg [dreg:$0x1]  }
0x3: {  	s2 =	rddreg [dreg:$0x2];
	s4 =	simm.s32 $0x0;
	s3 =	srdreg.scid  }
0x4: {  	s14 =	stileid.u32;
	s19 =	simm.s32 $0x14000;
	s28 =	simm.s32 $0x1  }
0x5: {  	s29 =	simm.s32 $0x3;
	s30 =	simm.s32 $0x0;
	s8 =	smul.u32 $0x14000, s14  }
0x6: {  	[smem:$0x7FF] =	sst s4;
	s3 =	sand.u32 $0x1, s3;
	s12 =	smul.u32 $0x50000, s14  }
0x7: {  	s5 =	sadd.s32 $0xDA00, s0;
	s6 =	sadd.s32 $0x3C00, s0;
	s13 =	smul.u32 $0x2710, s14  }
0x8: {  	s10 =	sadd.s32 $0x17800, s0;
	s26 =	sshll.u32 s14, $0x6;
	s7 =	smul.u32 $0x140000, s3  }
0x9: {  	_ =	strace $0x80000047;
	s9 =	sshll.u32 s3, $0x4;
	[dreg:$0x4] =	wrdreg s10  }
0xa: {  	s21 =	ssub.s32 $0x2, s3;
	s3 =	smul.u32 $0x27100, s3;
	s20 =	sor.u32 s14, s9  }
0xb: {  	s22 =	sshrl.u32 s21, $0x1;
	s12 =	sshrl.u32 s12, $0x2;
	s7 =	sadd.s32 s8, s7  }
0xc: {  	s8 =	smul.u32 $0x2710, s20;
	s3 =	sadd.s32 s13, s3;
	s12 =	sadd.s32 s12, s2  }
0xd: {  	s13 =	sor.u32 $0x1C04, s26;
	s20 =	simm.s32 $0x14100;
	s26 =	simm.s32 $0x14400  }
0xe: {  	s7 =	sshrl.u32 s7, $0x3;
	s15 =	sadd.s32 $0x258, s3;
	s18 =	sadd.s32 $0x190, s3  }
0xf: {  	s0 =	sadd.s32 s7, s0;
	s7 =	ssub.s32 s21, s22;
	s23 =	sadd.s32 $0xC8, s8  }
0x10: {  	s24 =	sshrl.u32 s8, $0x3;
	s31 =	sshrl.u32 s15, $0x3;
	s21 =	simm.s32 $0x14200  }
0x11: {  	s22 =	simm.s32 $0x14300;
	s11 =	sshrl.u32 s23, $0x3;
	s8 =	sadd.s32 s5, s24  }
0x12: {  	s25 =	sadd.s32 s6, s24;
	s14 =	sadd.s32 $0x1A000, s0;
	s15 =	smax.u32 s7, $0x1  }
0x13: {  	s16 =	sadd.s32 s31, s6;
	s17 =	sadd.s32 s31, s5;
	[dreg:$0x5] =	wrdreg s8  }
0x14: {  	s23 =	simm.s32 $0x4;
	s24 =	simm.s32 $0x2;
	[dreg:$0x6] =	wrdreg s25  }
0x15: {  	s10 =	sadd.s32 s5, s11;
	s11 =	sadd.s32 s6, s11;
	s25 =	simm.s32 $0xC8  }
.LBB2_1:
0x16: {  	s0 =	rddreg [dreg:$0x5]  }
0x17: {  	[tilespmem:s19], [sflag:$0x2] =	stream.linear.gather [hbm4b:s0+s4], $0xC8, $0x38;
	[tilespmem:$0x1A800] =	vst v63  }
0x18: {  	s3 =	rddreg [dreg:$0x6]  }
0x19: {  	[tilespmem:s20], [sflag:$0x2] =	stream.linear.gather [hbm4b:s3+s4], $0xC8, $0x38;
	[tilespmem:$0x1A800] =	vst v63  }
0x1a: {  	_ = 	snop  }
0x1b: {  	[tilespmem:s21], [sflag:$0x3] =	stream.linear.gather [hbm4b:s10+s4], $0xC8, $0x38;
	[tilespmem:$0x1A800] =	vst v63  }
0x1c: {  	s31 =	sshrl.u32 s12, $0x3;
	s7 =	rddreg [dreg:$0x4]  }
0x1d: {  	[tilespmem:s22], [sflag:$0x3] =	stream.linear.gather [hbm4b:s11+s4], $0xC8, $0x38;
	[tilespmem:$0x1A800] =	vst v63  }
0x1e: {  	[spmem:s31], [sflag:s13] =	dma.local [hbm:s7], $0x2800  }
0x1f: {  	_ =	swait.ge [sflag:s23], $0x2800  }
0x20: {  	[sflag:s23] =	ssyncset.done $0x0  }
0x21: {  	[sflag:s23] =	ssyncadd.s32 $0xFFFFD800  }
0x22: {  	[bflag:$0x0] =	sbarrier.arrive $0xFFFF  }
0x23: {  	_ =	swait.ge [sflag:s24], $0xC8  }
0x24: {  	[sflag:s24] =	ssyncset.done $0x0  }
0x25: {  	[sflag:s24] =	ssyncadd.s32 $0xFFFFFF38  }
0x26: {  	_ =	swait.ge [sflag:s24], $0xC8  }
0x27: {  	[sflag:s24] =	ssyncset.done $0x0  }
0x28: {  	[sflag:s24] =	ssyncadd.s32 $0xFFFFFF38  }
0x29: {  	[tilespmem:s26], [sflag:$0x1] =	stream.indirect.gather [hbm4b:s1+s25], $0x80, s19, s25, $0xb8;
	[tilespmem:$0x1A800] =	vst v63  }
0x2a: {  	_ =	swait.ge [sflag:s28], $0x6400  }
0x2b: {  	[sflag:s28] =	ssyncset.done $0x0  }
0x2c: {  	[sflag:s28] =	ssyncadd.s32 $0xFFFF9C00  }
0x2d: {  	[spmem:s2] =	stream.indirect.scatter.add.f32 [tilespmem:s26], [sflag:$0x4], $0x80, s20, s25, $0xb8;
	[tilespmem:$0x1A800] =	vst v63  }
0x2e: {  	_ =	swait.ge [sflag:s23], $0x6400  }
0x2f: {  	s8 =	sshrl.u32 s18, $0x3;
	[sflag:s23] =	ssyncset.done $0x0  }
0x30: {  	s3 =	sadd.s32 s5, s8;
	[sflag:s23] =	ssyncadd.s32 $0xFFFF9C00  }
0x31: {  	[tilespmem:s19], [sflag:$0x2] =	stream.linear.gather [hbm4b:s3+s4], $0xC8, $0x38;
	[tilespmem:$0x1A800] =	vst v63  }
0x32: {  	s0 =	sadd.s32 s6, s8  }
0x33: {  	[tilespmem:s20], [sflag:$0x2] =	stream.linear.gather [hbm4b:s0+s4], $0xC8, $0x38;
	[tilespmem:$0x1A800] =	vst v63  }
0x34: {  	_ =	swait.ge [sflag:s29], $0xC8  }
0x35: {  	[sflag:s29] =	ssyncset.done $0x0  }
0x36: {  	[sflag:s29] =	ssyncadd.s32 $0xFFFFFF38  }
0x37: {  	_ =	swait.ge [sflag:s29], $0xC8  }
0x38: {  	[sflag:s29] =	ssyncset.done $0x0  }
0x39: {  	[sflag:s29] =	ssyncadd.s32 $0xFFFFFF38  }
0x3a: {  	[tilespmem:s26], [sflag:$0x1] =	stream.indirect.gather [hbm4b:s1+s25], $0x80, s21, s25, $0xb8;
	[tilespmem:$0x1A800] =	vst v63  }
0x3b: {  	_ =	swait.ge [sflag:s28], $0x6400  }
0x3c: {  	[sflag:s28] =	ssyncset.done $0x0  }
0x3d: {  	[sflag:s28] =	ssyncadd.s32 $0xFFFF9C00  }
0x3e: {  	[spmem:s2] =	stream.indirect.scatter.add.f32 [tilespmem:s26], [sflag:$0x4], $0x80, s22, s25, $0xb8;
	[tilespmem:$0x1A800] =	vst v63  }
0x3f: {  	_ =	swait.ge [sflag:s23], $0x6400  }
0x40: {  	s9 =	sadd.s32 $0x0, s17;
	s7 =	sadd.s32 $0x0, s16;
	[sflag:s23] =	ssyncset.done $0x0  }
0x41: {  	s3 =	sadd.s32 $0x190, s18;
	s0 =	simm.s32 $0x32;
	[sflag:s23] =	ssyncadd.s32 $0xFFFF9C00  }
0x42: {  	[tilespmem:s21], [sflag:$0x3] =	stream.linear.gather [hbm4b:s9+s4], $0xC8, $0x38;
	[tilespmem:$0x1A800] =	vst v63  }
.LBB2_2:
0x43: {  	[tilespmem:s22], [sflag:$0x3] =	stream.linear.gather [hbm4b:s7+s4], $0xC8, $0x38;
	[tilespmem:$0x1A800] =	vst v63  }
0x44: {  	s7 =	smov.u32 s0  }
0x45: {  	p0 =	sne.s32 s0, $0x47E;
	s0 =	sadd.s32 $0x32, s0;
	_ =	swait.ge [sflag:s24], $0xC8  }
0x46: {  	[sflag:s24] =	ssyncset.done $0x0  }
0x47: {  	[sflag:s24] =	ssyncadd.s32 $0xFFFFFF38  }
0x48: {  	_ =	swait.ge [sflag:s24], $0xC8  }
0x49: {  	[sflag:s24] =	ssyncset.done $0x0  }
0x4a: {  	[sflag:s24] =	ssyncadd.s32 $0xFFFFFF38  }
0x4b: {  	[tilespmem:s26], [sflag:$0x1] =	stream.indirect.gather [hbm4b:s1+s25], $0x80, s19, s25, $0xb8;
	[tilespmem:$0x1A800] =	vst v63  }
0x4c: {  	_ =	swait.ge [sflag:s28], $0x6400  }
0x4d: {  	[sflag:s28] =	ssyncset.done $0x0  }
0x4e: {  	[sflag:s28] =	ssyncadd.s32 $0xFFFF9C00  }
0x4f: {  	[spmem:s2] =	stream.indirect.scatter.add.f32 [tilespmem:s26], [sflag:$0x4], $0x80, s20, s25, $0xb8;
	[tilespmem:$0x1A800] =	vst v63  }
0x50: {  	_ =	swait.ge [sflag:s23], $0x6400  }
0x51: {  	s8 =	sshrl.u32 s3, $0x3;
	[sflag:s23] =	ssyncset.done $0x0  }
0x52: {  	s9 =	sadd.s32 s5, s8;
	[sflag:s23] =	ssyncadd.s32 $0xFFFF9C00  }
0x53: {  	[tilespmem:s19], [sflag:$0x2] =	stream.linear.gather [hbm4b:s9+s4], $0xC8, $0x38;
	[tilespmem:$0x1A800] =	vst v63  }
0x54: {  	s8 =	sadd.s32 s6, s8  }
0x55: {  	[tilespmem:s20], [sflag:$0x2] =	stream.linear.gather [hbm4b:s8+s4], $0xC8, $0x38;
	[tilespmem:$0x1A800] =	vst v63  }
0x56: {  	_ =	swait.ge [sflag:s29], $0xC8  }
0x57: {  	[sflag:s29] =	ssyncset.done $0x0  }
0x58: {  	[sflag:s29] =	ssyncadd.s32 $0xFFFFFF38  }
0x59: {  	_ =	swait.ge [sflag:s29], $0xC8  }
0x5a: {  	[sflag:s29] =	ssyncset.done $0x0  }
0x5b: {  	[sflag:s29] =	ssyncadd.s32 $0xFFFFFF38  }
0x5c: {  	[tilespmem:s26], [sflag:$0x1] =	stream.indirect.gather [hbm4b:s1+s25], $0x80, s21, s25, $0xb8;
	[tilespmem:$0x1A800] =	vst v63  }
0x5d: {  	_ =	swait.ge [sflag:s28], $0x6400  }
0x5e: {  	[sflag:s28] =	ssyncset.done $0x0  }
0x5f: {  	[sflag:s28] =	ssyncadd.s32 $0xFFFF9C00  }
0x60: {  	[spmem:s2] =	stream.indirect.scatter.add.f32 [tilespmem:s26], [sflag:$0x4], $0x80, s22, s25, $0xb8;
	[tilespmem:$0x1A800] =	vst v63  }
.Ltmp0:
0x61: {  	_ =	swait.ge [sflag:s23], $0x6400;
	(pc) =	sbr.rel @p0 .LBB2_2-.Ltmp0, $4  }
0x62: {  	[sflag:s23] =	ssyncset.done $0x0  }
0x63: {  	s8 =	sadd.s32 s7, s17;
	[sflag:s23] =	ssyncadd.s32 $0xFFFF9C00  }
0x64: {  	[tilespmem:s21], [sflag:$0x3] =	stream.linear.gather [hbm4b:s8+s4], $0xC8, $0x38;
	[tilespmem:$0x1A800] =	vst v63  }
0x65: {  	s3 =	sadd.s32 $0x190, s3;
	s7 =	sadd.s32 s7, s16  }
0x66: {  	[tilespmem:s22], [sflag:$0x3] =	stream.linear.gather [hbm4b:s7+s4], $0xC8, $0x38;
	[tilespmem:$0x1A800] =	vst v63  }
0x67: {  	_ =	swait.ge [sflag:s24], $0xC8  }
0x68: {  	[sflag:s24] =	ssyncset.done $0x0  }
0x69: {  	[sflag:s24] =	ssyncadd.s32 $0xFFFFFF38  }
0x6a: {  	_ =	swait.ge [sflag:s24], $0xC8  }
0x6b: {  	[sflag:s24] =	ssyncset.done $0x0  }
0x6c: {  	[sflag:s24] =	ssyncadd.s32 $0xFFFFFF38  }
0x6d: {  	[tilespmem:s26], [sflag:$0x1] =	stream.indirect.gather [hbm4b:s1+s25], $0x80, s19, s25, $0xb8;
	[tilespmem:$0x1A800] =	vst v63  }
0x6e: {  	_ =	swait.ge [sflag:s28], $0x6400  }
0x6f: {  	[sflag:s28] =	ssyncset.done $0x0  }
0x70: {  	[sflag:s28] =	ssyncadd.s32 $0xFFFF9C00  }
0x71: {  	[spmem:s2] =	stream.indirect.scatter.add.f32 [tilespmem:s26], [sflag:$0x4], $0x80, s20, s25, $0xb8;
	[tilespmem:$0x1A800] =	vst v63  }
0x72: {  	_ =	swait.ge [sflag:s23], $0x6400  }
0x73: {  	[sflag:s23] =	ssyncset.done $0x0  }
0x74: {  	[sflag:s23] =	ssyncadd.s32 $0xFFFF9C00  }
0x75: {  	_ =	swait.ge [sflag:s29], $0xC8  }
0x76: {  	[sflag:s29] =	ssyncset.done $0x0  }
0x77: {  	[sflag:s29] =	ssyncadd.s32 $0xFFFFFF38  }
0x78: {  	_ =	swait.ge [sflag:s29], $0xC8  }
0x79: {  	[sflag:s29] =	ssyncset.done $0x0  }
0x7a: {  	[sflag:s29] =	ssyncadd.s32 $0xFFFFFF38  }
0x7b: {  	[tilespmem:s26], [sflag:$0x1] =	stream.indirect.gather [hbm4b:s1+s25], $0x80, s21, s25, $0xb8;
	[tilespmem:$0x1A800] =	vst v63  }
0x7c: {  	_ =	swait.ge [sflag:s28], $0x6400  }
0x7d: {  	[sflag:s28] =	ssyncset.done $0x0  }
0x7e: {  	[sflag:s28] =	ssyncadd.s32 $0xFFFF9C00  }
0x7f: {  	[spmem:s2] =	stream.indirect.scatter.add.f32 [tilespmem:s26], [sflag:$0x4], $0x80, s22, s25, $0xb8;
	[tilespmem:$0x1A800] =	vst v63  }
0x80: {  	_ =	swait.ge [sflag:s23], $0x6400  }
0x81: {  	s30 =	sadd.s32 $0x1, s30;
	[sflag:s23] =	ssyncset.done $0x0  }
0x82: {  	p0 =	sne.s32 s30, s15;
	[sflag:s23] =	ssyncadd.s32 $0xFFFF9C00  }
.Ltmp1:
0x83: {  	[bflag:$0x0] =	sbarrier.arrive $0xFFFF;
	(pc) =	sbr.rel @p0 .LBB2_1-.Ltmp1, $4  }
0x84: {  	[hbm:s14], [sflag:s13] =	dma.local [spmem:s31], $0x2800  }
0x85: {  	_ =	swait.ge [sflag:s23], $0x2800  }
0x86: {  	[sflag:s23] =	ssyncset.done $0x0  }
0x87: {  	[sflag:s23] =	ssyncadd.s32 $0xFFFFD800  }
0x88: {  	_ =	sfence.sel $0x180000  }
0x89: {  	[bflag:$0x0] =	sbarrier.arrive $0xFFFF  }
0x8a: {  	_ =	strace $0x90000047  }
0x8b: {  	s0 =	stileid.u32;
	[bflag:$0x2] =	sbarrier.arrive $0xFFFF  }
0x8c: {  	p0 =	sne.s32 s0, $0x0;
	s0 =	rddreg [dreg:$0x3]  }
0x8d: {  	s0 =	sadd.s32 @!p0 $0x100000, s0  }
0x8e: {  	[sflag:s0] =	ssyncadd.tile.s32 @!p0 $0x1;
	_ =	shalt  }
.Lfunc_end2:
_tile_overlayer_lowered:
.L_overlay_start_2:
0x8f: {  	(tag) =	ssettag $0x2  }
0x90: {  	s0 =	rddreg [dreg:$0x0];
	s2 =	stileid.u32  }
0x91: {  	s1 =	rddreg [dreg:$0x1];
	p0 =	sne.s32 s2, $0x0  }
0x92: {  	s3 =	rddreg [dreg:$0x2];
	[bflag:$0x3] =	sbarrier.arrive $0xFFFF;
	s2 =	simm.s32 @!p0 $0x1C04  }
0x93: {  	[timem:s3], [sflag:s2] =	dma.local @!p0 [hbm:s0], s1  }
0x94: {  	s0 =	simm.s32 @!p0 $0x4  }
0x95: {  	_ =	swait.ge @!p0 [sflag:s0], s1  }
0x96: {  	s1 =	ssub.s32 @!p0 $0x0, s1;
	[sflag:s0] =	ssyncset.done @!p0 $0x0  }
0x97: {  	[sflag:s0] =	ssyncadd.s32 @!p0 s1  }
0x98: {  	[bflag:$0x3] =	sbarrier.arrive $0xFFFF  }
0x99: {  	_ =	shalt  }

</sc_bundles>
